<compile_context>
chip_gen: v7x
topology: tpu7x:2x2x1
jax: 0.10.2.dev20260603
libtpu: 0.0.44.dev20260713+nightly
codegen_flags: <defaults>
</compile_context>

<pallas_src>
import functools

import jax
import jax.numpy as jnp
from jax.experimental import pallas as pl
from jax.experimental.pallas import tpu as pltpu

K_NN = 32


def _red2(v, fn):
    return fn(fn(v, axis=0, keepdims=True), axis=1, keepdims=True)


def _fps_body(m, c_ref, o_ref):
    B = c_ref.shape[0]
    cols = c_ref.shape[3]
    n = 8 * cols
    mc = m // 8
    planes = [[c_ref[b, k] for k in range(3)] for b in range(B)]
    fi = (jax.lax.broadcasted_iota(jnp.int32, (8, cols), 0) * cols
          + jax.lax.broadcasted_iota(jnp.int32, (8, cols), 1))
    fim = (jax.lax.broadcasted_iota(jnp.int32, (8, mc), 0) * mc
           + jax.lax.broadcasted_iota(jnp.int32, (8, mc), 1))

    def body(i, carry):
        dists, fars, idxss = carry
        new_d, new_f, new_i = [], [], []
        for b in range(B):
            dist, far, idxs = dists[b], fars[b], idxss[b]
            idxs = jnp.where(fim == i, far, idxs)
            oh = fi == far
            xb, yb, zb = planes[b]
            cx = _red2(jnp.where(oh, xb, 0.0), jnp.sum)
            cy = _red2(jnp.where(oh, yb, 0.0), jnp.sum)
            cz = _red2(jnp.where(oh, zb, 0.0), jnp.sum)
            dx, dy, dz = xb - cx, yb - cy, zb - cz
            d = (dx * dx + dy * dy) + dz * dz
            dist = jnp.minimum(dist, d)
            mx = _red2(dist, jnp.max)
            sel = jnp.where(dist == mx, fi, n)
            far2 = _red2(sel, jnp.min)
            new_d.append(dist)
            new_f.append(far2)
            new_i.append(idxs)
        return tuple(new_d), tuple(new_f), tuple(new_i)

    dist0 = tuple(jnp.full((8, cols), 1e10, jnp.float32) for _ in range(B))
    far0 = tuple(jnp.zeros((1, 1), jnp.int32) for _ in range(B))
    idxs0 = tuple(jnp.zeros((8, mc), jnp.int32) for _ in range(B))
    _, _, idxss = jax.lax.fori_loop(0, m, body, (dist0, far0, idxs0))
    for b in range(B):
        o_ref[b] = idxss[b]


def _fps_pallas(coords, m):
    B, N, _ = coords.shape
    planes = coords.transpose(0, 2, 1).reshape(B, 3, 8, N // 8)
    out = pl.pallas_call(
        functools.partial(_fps_body, m),
        in_specs=[pl.BlockSpec((B, 3, 8, N // 8), lambda: (0, 0, 0, 0))],
        out_specs=pl.BlockSpec((B, 8, m // 8), lambda: (0, 0, 0)),
        out_shape=jax.ShapeDtypeStruct((B, 8, m // 8), jnp.int32),
    )(planes)
    return out.reshape(B, m)


def _agg_body(c8_ref, ct_ref, coords_ref, fp_ref, wg_ref, bg_ref,
              out_ref, d2_ref):
    tc = c8_ref.shape[1]
    n = coords_ref.shape[2]
    c8 = c8_ref[0]
    cx, cy, cz = c8[:, 0:1], c8[:, 1:2], c8[:, 2:3]
    r2 = c8[:, 3:4]
    px = coords_ref[0, 0:1, :]
    py = coords_ref[0, 1:2, :]
    pz = coords_ref[0, 2:3, :]
    dx, dy, dz = cx - px, cy - py, cz - pz
    d2_ref[...] = (dx * dx + dy * dy) + dz * dz
    ct = ct_ref[0]
    iota = jax.lax.broadcasted_iota(jnp.int32, (1, n), 1)

    def cond(carry):
        t, _, go = carry
        return jnp.logical_and(t < K_NN, go)

    def body(carry):
        t, pooled, _ = carry
        d2 = d2_ref[...]
        mval = jnp.min(d2, axis=1, keepdims=True)
        alive = mval <= r2
        cand = jnp.where(d2 == mval, iota, n)
        j = jnp.min(cand, axis=1, keepdims=True)
        oh = iota == j
        g = jax.lax.dot_general(oh.astype(jnp.float32), fp_ref[0],
                                (((1,), (0,)), ((), ())),
                                preferred_element_type=jnp.float32)
        e = jnp.maximum(g - ct, 0.0)
        pooled = jnp.maximum(pooled, jnp.where(alive, e, -1e9))
        d2_ref[...] = jnp.where(oh, 1e30, d2)
        return t + 1, pooled, jnp.any(alive)

    _, pooled, _ = jax.lax.while_loop(
        cond, body,
        (jnp.int32(0), jnp.full((tc, 64), -1e9, jnp.float32),
         jnp.bool_(True)))
    gate = jax.nn.sigmoid(
        jax.lax.dot_general(pooled, wg_ref[...], (((1,), (0,)), ((), ())),
                            preferred_element_type=jnp.float32) + bg_ref[...])
    out_ref[0] = pooled * gate


def _local_agg(coords, cpad, feats, cidx, wr, br, we, be, wg, bg, rmin, rmax):
    B, N, _ = coords.shape
    m = cidx.shape[1]
    TC = 256
    centers = jnp.take_along_axis(coords, cidx[..., None], axis=1)
    cfeat = jnp.take_along_axis(feats, cidx[..., None], axis=1)
    radius = rmin + jax.nn.sigmoid(cfeat @ wr + br) * (rmax - rmin)
    r2 = radius ** 2
    wf, wp = we[:64], we[64:67]
    fp = feats @ wf + coords @ wp + be
    cterm = centers @ wp
    c8 = jnp.concatenate([centers, r2, jnp.zeros((B, m, 4), jnp.float32)],
                         axis=-1)
    out = pl.pallas_call(
        _agg_body,
        grid=(B, m // TC),
        in_specs=[
            pl.BlockSpec((1, TC, 8), lambda b, t: (b, t, 0)),
            pl.BlockSpec((1, TC, 64), lambda b, t: (b, t, 0)),
            pl.BlockSpec((1, 8, N), lambda b, t: (b, 0, 0)),
            pl.BlockSpec((1, N, 64), lambda b, t: (b, 0, 0)),
            pl.BlockSpec((64, 64), lambda b, t: (0, 0)),
            pl.BlockSpec((1, 64), lambda b, t: (0, 0)),
        ],
        out_specs=pl.BlockSpec((1, TC, 64), lambda b, t: (b, t, 0)),
        out_shape=jax.ShapeDtypeStruct((B, m, 64), jnp.float32),
        scratch_shapes=[pltpu.VMEM((TC, N), jnp.float32)],
    )(c8, cterm, cpad, fp, wg, bg.reshape(1, 64))
    return out


def _channel_ccc(h, w1, b1, w2, b2):
    desc = jnp.mean(h, axis=1)
    a = jax.nn.sigmoid(jax.nn.relu(desc @ w1 + b1) @ w2 + b2)
    return h * a[:, None, :]


def _linear_gva(h, wq, wk, wv):
    q = h @ wq
    k = h @ wk
    v = h @ wv
    attn = jax.nn.softmax(k, axis=1)
    g = jnp.sum(attn * v, axis=1, keepdims=True)
    return h + jax.nn.sigmoid(q) * g


def _nearest_up(h, n):
    m = h.shape[1]
    idx = (jnp.arange(n) * m) // n
    return h[:, idx, :]


def kernel(x, enc_w0, enc_b0, enc_w1, enc_b1,
           f1_wr, f1_br, f1_we, f1_be, f1_wg, f1_bg,
           f2_wr, f2_br, f2_we, f2_be, f2_wg, f2_bg,
           aux_w0, aux_b0, aux_w1, aux_b1,
           ccc_w1, ccc_b1, ccc_w2, ccc_b2,
           gva_wq, gva_wk, gva_wv,
           up_w0, up_b0, up_w1, up_b1,
           cls_w0, cls_b0, cls_w1, cls_b1):
    B, N, _ = x.shape
    coords = x[..., :3]
    m1 = max(1, N // 2)
    m2 = max(1, N // 4)

    cpad = jnp.concatenate(
        [coords.transpose(0, 2, 1),
         jnp.zeros((B, 5, N), jnp.float32)], axis=1)
    idx1 = _fps_pallas(coords, m1)
    idx2 = idx1[:, :m2]

    feats = jax.nn.relu(x @ enc_w0 + enc_b0) @ enc_w1 + enc_b1
    out1 = _local_agg(coords, cpad, feats, idx1, f1_wr, f1_br, f1_we, f1_be,
                      f1_wg, f1_bg, 0.02, 0.15)
    out2 = _local_agg(coords, cpad, feats, idx2, f2_wr, f2_br, f2_we, f2_be,
                      f2_wg, f2_bg, 0.05, 0.3)
    out1 = _channel_ccc(out1, ccc_w1, ccc_b1, ccc_w2, ccc_b2)
    out2 = _channel_ccc(out2, ccc_w1, ccc_b1, ccc_w2, ccc_b2)
    out1 = _linear_gva(out1, gva_wq, gva_wk, gva_wv)
    out2 = _linear_gva(out2, gva_wq, gva_wk, gva_wv)
    out1_up = _nearest_up(out1, N)
    out2_up = _nearest_up(out2, N)
    fused = jnp.concatenate([out1_up, out2_up], axis=-1)
    fused = jax.nn.relu(fused @ up_w0 + up_b0) @ up_w1 + up_b1
    logits = jax.nn.relu(fused @ cls_w0 + cls_b0) @ cls_w1 + cls_b1
    return logits

# --- scband reference (transcript-rebuilt; emitter-appended) ---
"""Pipeline reference for scband-sgdatseg-49770081026149 (READ-ONLY COPY).

The authoritative reference and input builder live on the scoring server;
editing this copy changes nothing except your own understanding.
"""

import jax, jax.numpy as jnp
import numpy as np

K_NEIGH = 32

WNAMES = ["enc_w0", "enc_b0", "enc_w1", "enc_b1",
          "f1_wr", "f1_br", "f1_we", "f1_be", "f1_wg", "f1_bg",
          "f2_wr", "f2_br", "f2_we", "f2_be", "f2_wg", "f2_bg",
          "aux_w0", "aux_b0", "aux_w1", "aux_b1",
          "ccc_w1", "ccc_b1", "ccc_w2", "ccc_b2",
          "gva_wq", "gva_wk", "gva_wv",
          "up_w0", "up_b0", "up_w1", "up_b1",
          "cls_w0", "cls_b0", "cls_w1", "cls_b1"]


def farthest_point_sample(coords, m):
    B, N, _ = coords.shape
    def body(i, state):
        idx, dist, far = state
        idx = idx.at[:, i].set(far)
        centroid = jnp.take_along_axis(coords, far[:, None, None], axis=1)
        d = jnp.sum((coords - centroid) ** 2, axis=-1)
        dist = jnp.minimum(dist, d)
        far2 = jnp.argmax(dist, axis=-1).astype(jnp.int32)
        return (idx, dist, far2)
    idx0 = jnp.zeros((B, m), dtype=jnp.int32)
    dist0 = jnp.full((B, N), 1e10, dtype=coords.dtype)
    far0 = jnp.zeros((B,), dtype=jnp.int32)
    idx, _, _ = jax.lax.fori_loop(0, m, body, (idx0, dist0, far0))
    return idx


def drcf(coords, feats, cidx, wr, br, we, be, wg, bg, rmin, rmax):
    centers = jnp.take_along_axis(coords, cidx[..., None], axis=1)
    cfeat = jnp.take_along_axis(feats, cidx[..., None], axis=1)
    d2 = jnp.sum((centers[:, :, None, :] - coords[:, None, :, :]) ** 2, axis=-1)
    neg_d2, knn_idx = jax.lax.top_k(-d2, K_NEIGH)
    knn_d2 = -neg_d2
    radius = rmin + jax.nn.sigmoid(cfeat @ wr + br) * (rmax - rmin)
    mask = knn_d2 <= radius ** 2
    nfeat = jax.vmap(lambda f, i: f[i])(feats, knn_idx)
    npos = jax.vmap(lambda c, i: c[i])(coords, knn_idx)
    rel = npos - centers[:, :, None, :]
    edge = jnp.concatenate([nfeat, rel], axis=-1)
    e = jax.nn.relu(edge @ we + be)
    e = jnp.where(mask[..., None], e, -1e9)
    pooled = jnp.max(e, axis=2)
    gate = jax.nn.sigmoid(pooled @ wg + bg)
    return pooled * gate, knn_idx


def aux_sem(h, w0, b0, w1, b1):
    return jax.nn.softmax(jax.nn.relu(h @ w0 + b0) @ w1 + b1, axis=-1)


def channel_ccc(h, w1, b1, w2, b2):
    desc = jnp.mean(h, axis=1)
    a = jax.nn.sigmoid(jax.nn.relu(desc @ w1 + b1) @ w2 + b2)
    return h * a[:, None, :]


def linear_gva(h, wq, wk, wv):
    q = h @ wq
    k = h @ wk
    v = h @ wv
    attn = jax.nn.softmax(k, axis=1)
    g = jnp.sum(attn * v, axis=1, keepdims=True)
    return h + jax.nn.sigmoid(q) * g


def nearest_up(h, n):
    m = h.shape[1]
    idx = (jnp.arange(n) * m) // n
    return h[:, idx, :]


def forward_core(x, idx1, idx2, enc_w0, enc_b0, enc_w1, enc_b1,
                 f1_wr, f1_br, f1_we, f1_be, f1_wg, f1_bg,
                 f2_wr, f2_br, f2_we, f2_be, f2_wg, f2_bg,
                 aux_w0, aux_b0, aux_w1, aux_b1,
                 ccc_w1, ccc_b1, ccc_w2, ccc_b2,
                 gva_wq, gva_wk, gva_wv,
                 up_w0, up_b0, up_w1, up_b1,
                 cls_w0, cls_b0, cls_w1, cls_b1):
    B, N, _ = x.shape
    coords = x[..., :3]
    feats = jax.nn.relu(x @ enc_w0 + enc_b0) @ enc_w1 + enc_b1
    out1, knn1 = drcf(coords, feats, idx1, f1_wr, f1_br, f1_we, f1_be, f1_wg, f1_bg, 0.02, 0.15)
    sem1 = aux_sem(out1, aux_w0, aux_b0, aux_w1, aux_b1)
    out2, knn2 = drcf(coords, feats, idx2, f2_wr, f2_br, f2_we, f2_be, f2_wg, f2_bg, 0.05, 0.3)
    sem2 = aux_sem(out2, aux_w0, aux_b0, aux_w1, aux_b1)
    out1_ccc = channel_ccc(out1, ccc_w1, ccc_b1, ccc_w2, ccc_b2)
    out2_ccc = channel_ccc(out2, ccc_w1, ccc_b1, ccc_w2, ccc_b2)
    out1_gva = linear_gva(out1_ccc, gva_wq, gva_wk, gva_wv)
    out2_gva = linear_gva(out2_ccc, gva_wq, gva_wk, gva_wv)
    out1_up = nearest_up(out1_gva, N)
    out2_up = nearest_up(out2_gva, N)
    fused = jnp.concatenate([out1_up, out2_up], axis=-1)
    fused = jax.nn.relu(fused @ up_w0 + up_b0) @ up_w1 + up_b1
    logits = jax.nn.relu(fused @ cls_w0 + cls_b0) @ cls_w1 + cls_b1
    return logits


def setup_inputs(seed: int = 0):
    key = jax.random.key(seed)
    ks = jax.random.split(key, 40)
    def w(k, shape):
        fan = shape[0]
        return (jax.random.normal(k, shape, dtype=jnp.float32) / np.sqrt(fan)).astype(jnp.float32)
    z = lambda n: jnp.zeros((n,), dtype=jnp.float32)
    inp = {}
    inp["x"] = jax.random.normal(ks[0], (4, 4096, 9), dtype=jnp.float32)
    inp["enc_w0"] = w(ks[1], (9, 64)); inp["enc_b0"] = z(64)
    inp["enc_w1"] = w(ks[2], (64, 64)); inp["enc_b1"] = z(64)
    inp["f1_wr"] = w(ks[3], (64, 1)); inp["f1_br"] = z(1)
    inp["f1_we"] = w(ks[4], (67, 64)); inp["f1_be"] = z(64)
    inp["f1_wg"] = w(ks[5], (64, 64)); inp["f1_bg"] = z(64)
    inp["f2_wr"] = w(ks[6], (64, 1)); inp["f2_br"] = z(1)
    inp["f2_we"] = w(ks[7], (67, 64)); inp["f2_be"] = z(64)
    inp["f2_wg"] = w(ks[8], (64, 64)); inp["f2_bg"] = z(64)
    inp["aux_w0"] = w(ks[9], (64, 32)); inp["aux_b0"] = z(32)
    inp["aux_w1"] = w(ks[10], (32, 13)); inp["aux_b1"] = z(13)
    inp["ccc_w1"] = w(ks[11], (64, 16)); inp["ccc_b1"] = z(16)
    inp["ccc_w2"] = w(ks[12], (16, 64)); inp["ccc_b2"] = z(64)
    inp["gva_wq"] = w(ks[13], (64, 64))
    inp["gva_wk"] = w(ks[14], (64, 64))
    inp["gva_wv"] = w(ks[15], (64, 64))
    inp["up_w0"] = w(ks[16], (128, 64)); inp["up_b0"] = z(64)
    inp["up_w1"] = w(ks[17], (64, 64)); inp["up_b1"] = z(64)
    inp["cls_w0"] = w(ks[18], (64, 32)); inp["cls_b0"] = z(32)
    inp["cls_w1"] = w(ks[19], (32, 13)); inp["cls_b1"] = z(13)
    return inp


def reference(x, enc_w0, enc_b0, enc_w1, enc_b1,
              f1_wr, f1_br, f1_we, f1_be, f1_wg, f1_bg,
              f2_wr, f2_br, f2_we, f2_be, f2_wg, f2_bg,
              aux_w0, aux_b0, aux_w1, aux_b1,
              ccc_w1, ccc_b1, ccc_w2, ccc_b2,
              gva_wq, gva_wk, gva_wv,
              up_w0, up_b0, up_w1, up_b1,
              cls_w0, cls_b0, cls_w1, cls_b1):
    inp = dict(locals())
    ws = [inp[n] for n in WNAMES]
    N = x.shape[1]
    coords = jax.lax.stop_gradient(x[..., :3])
    m1 = max(1, N // 2)
    m2 = max(1, N // 4)
    idx1 = farthest_point_sample(coords, m1)
    idx2 = farthest_point_sample(coords, m2)
    return forward_core(x, idx1, idx2, *ws)

if __name__ == "__main__":
    import jax
    _d = setup_inputs()
    print(jax.jit(kernel)(*tuple(_d.values())))

</pallas_src>

<mosaic_0001>
module attributes {stable_mosaic.version = 14 : i64} {
  func.func @_fps_body(%arg0: memref<4x3x8x512xf32, #tpu.memory_space<vmem>>, %arg1: memref<4x8x256xi32, #tpu.memory_space<vmem>>) attributes {dimension_semantics = [], scalar_prefetch = 0 : i64, scratch_operands = 0 : i64, tpu.core_type = #tpu.core_type<tc>} {
    %get3A = arith.constant 0 : index
    %get3A_0 = arith.constant 0 : index
    %get3A_1 = arith.constant 0 : index
    %get3A_2 = arith.constant 0 : index
    %get3A_3 = vector.load %arg0[%get3A, %get3A_0, %get3A_1, %get3A_2] : memref<4x3x8x512xf32, #tpu.memory_space<vmem>>, vector<1x1x8x512xf32>
    %get3A_4 = vector.shape_cast %get3A_3 : vector<1x1x8x512xf32> to vector<8x512xf32>
    %get3A_5 = arith.constant 0 : index
    %get3A_6 = arith.constant 1 : index
    %get3A_7 = arith.constant 0 : index
    %get3A_8 = arith.constant 0 : index
    %get3A_9 = vector.load %arg0[%get3A_5, %get3A_6, %get3A_7, %get3A_8] : memref<4x3x8x512xf32, #tpu.memory_space<vmem>>, vector<1x1x8x512xf32>
    %get3A_10 = vector.shape_cast %get3A_9 : vector<1x1x8x512xf32> to vector<8x512xf32>
    %get3A_11 = arith.constant 0 : index
    %get3A_12 = arith.constant 2 : index
    %get3A_13 = arith.constant 0 : index
    %get3A_14 = arith.constant 0 : index
    %get3A_15 = vector.load %arg0[%get3A_11, %get3A_12, %get3A_13, %get3A_14] : memref<4x3x8x512xf32, #tpu.memory_space<vmem>>, vector<1x1x8x512xf32>
    %get3A_16 = vector.shape_cast %get3A_15 : vector<1x1x8x512xf32> to vector<8x512xf32>
    %get3A_17 = arith.constant 1 : index
    %get3A_18 = arith.constant 0 : index
    %get3A_19 = arith.constant 0 : index
    %get3A_20 = arith.constant 0 : index
    %get3A_21 = vector.load %arg0[%get3A_17, %get3A_18, %get3A_19, %get3A_20] : memref<4x3x8x512xf32, #tpu.memory_space<vmem>>, vector<1x1x8x512xf32>
    %get3A_22 = vector.shape_cast %get3A_21 : vector<1x1x8x512xf32> to vector<8x512xf32>
    %get3A_23 = arith.constant 1 : index
    %get3A_24 = arith.constant 1 : index
    %get3A_25 = arith.constant 0 : index
    %get3A_26 = arith.constant 0 : index
    %get3A_27 = vector.load %arg0[%get3A_23, %get3A_24, %get3A_25, %get3A_26] : memref<4x3x8x512xf32, #tpu.memory_space<vmem>>, vector<1x1x8x512xf32>
    %get3A_28 = vector.shape_cast %get3A_27 : vector<1x1x8x512xf32> to vector<8x512xf32>
    %get3A_29 = arith.constant 1 : index
    %get3A_30 = arith.constant 2 : index
    %get3A_31 = arith.constant 0 : index
    %get3A_32 = arith.constant 0 : index
    %get3A_33 = vector.load %arg0[%get3A_29, %get3A_30, %get3A_31, %get3A_32] : memref<4x3x8x512xf32, #tpu.memory_space<vmem>>, vector<1x1x8x512xf32>
    %get3A_34 = vector.shape_cast %get3A_33 : vector<1x1x8x512xf32> to vector<8x512xf32>
    %get3A_35 = arith.constant 2 : index
    %get3A_36 = arith.constant 0 : index
    %get3A_37 = arith.constant 0 : index
    %get3A_38 = arith.constant 0 : index
    %get3A_39 = vector.load %arg0[%get3A_35, %get3A_36, %get3A_37, %get3A_38] : memref<4x3x8x512xf32, #tpu.memory_space<vmem>>, vector<1x1x8x512xf32>
    %get3A_40 = vector.shape_cast %get3A_39 : vector<1x1x8x512xf32> to vector<8x512xf32>
    %get3A_41 = arith.constant 2 : index
    %get3A_42 = arith.constant 1 : index
    %get3A_43 = arith.constant 0 : index
    %get3A_44 = arith.constant 0 : index
    %get3A_45 = vector.load %arg0[%get3A_41, %get3A_42, %get3A_43, %get3A_44] : memref<4x3x8x512xf32, #tpu.memory_space<vmem>>, vector<1x1x8x512xf32>
    %get3A_46 = vector.shape_cast %get3A_45 : vector<1x1x8x512xf32> to vector<8x512xf32>
    %get3A_47 = arith.constant 2 : index
    %get3A_48 = arith.constant 2 : index
    %get3A_49 = arith.constant 0 : index
    %get3A_50 = arith.constant 0 : index
    %get3A_51 = vector.load %arg0[%get3A_47, %get3A_48, %get3A_49, %get3A_50] : memref<4x3x8x512xf32, #tpu.memory_space<vmem>>, vector<1x1x8x512xf32>
    %get3A_52 = vector.shape_cast %get3A_51 : vector<1x1x8x512xf32> to vector<8x512xf32>
    %get3A_53 = arith.constant 3 : index
    %get3A_54 = arith.constant 0 : index
    %get3A_55 = arith.constant 0 : index
    %get3A_56 = arith.constant 0 : index
    %get3A_57 = vector.load %arg0[%get3A_53, %get3A_54, %get3A_55, %get3A_56] : memref<4x3x8x512xf32, #tpu.memory_space<vmem>>, vector<1x1x8x512xf32>
    %get3A_58 = vector.shape_cast %get3A_57 : vector<1x1x8x512xf32> to vector<8x512xf32>
    %get3A_59 = arith.constant 3 : index
    %get3A_60 = arith.constant 1 : index
    %get3A_61 = arith.constant 0 : index
    %get3A_62 = arith.constant 0 : index
    %get3A_63 = vector.load %arg0[%get3A_59, %get3A_60, %get3A_61, %get3A_62] : memref<4x3x8x512xf32, #tpu.memory_space<vmem>>, vector<1x1x8x512xf32>
    %get3A_64 = vector.shape_cast %get3A_63 : vector<1x1x8x512xf32> to vector<8x512xf32>
    %get3A_65 = arith.constant 3 : index
    %get3A_66 = arith.constant 2 : index
    %get3A_67 = arith.constant 0 : index
    %get3A_68 = arith.constant 0 : index
    %get3A_69 = vector.load %arg0[%get3A_65, %get3A_66, %get3A_67, %get3A_68] : memref<4x3x8x512xf32, #tpu.memory_space<vmem>>, vector<1x1x8x512xf32>
    %get3A_70 = vector.shape_cast %get3A_69 : vector<1x1x8x512xf32> to vector<8x512xf32>
    %iota3A = tpu.iota {dimensions = array<i32: 0>} : vector<8x512xi32>
    %mul3A = arith.constant 512 : i32
    %mul3A_71 = vector.broadcast %mul3A : i32 to vector<8x512xi32>
    %mul3A_72 = arith.muli %iota3A, %mul3A_71 : vector<8x512xi32>
    %iota3A_73 = tpu.iota {dimensions = array<i32: 1>} : vector<8x512xi32>
    %add3A = arith.addi %mul3A_72, %iota3A_73 : vector<8x512xi32>
    %iota3A_74 = tpu.iota {dimensions = array<i32: 0>} : vector<8x256xi32>
    %mul3A_75 = arith.constant 256 : i32
    %mul3A_76 = vector.broadcast %mul3A_75 : i32 to vector<8x256xi32>
    %mul3A_77 = arith.muli %iota3A_74, %mul3A_76 : vector<8x256xi32>
    %iota3A_78 = tpu.iota {dimensions = array<i32: 1>} : vector<8x256xi32>
    %add3A_79 = arith.addi %mul3A_77, %iota3A_78 : vector<8x256xi32>
    %broadcast_in_dim3A = arith.constant 1.000000e+10 : f32
    %broadcast_in_dim3A_80 = vector.broadcast %broadcast_in_dim3A : f32 to vector<8x512xf32>
    %broadcast_in_dim3A_81 = arith.constant 1.000000e+10 : f32
    %broadcast_in_dim3A_82 = vector.broadcast %broadcast_in_dim3A_81 : f32 to vector<8x512xf32>
    %broadcast_in_dim3A_83 = arith.constant 1.000000e+10 : f32
    %broadcast_in_dim3A_84 = vector.broadcast %broadcast_in_dim3A_83 : f32 to vector<8x512xf32>
    %broadcast_in_dim3A_85 = arith.constant 1.000000e+10 : f32
    %broadcast_in_dim3A_86 = vector.broadcast %broadcast_in_dim3A_85 : f32 to vector<8x512xf32>
    %broadcast_in_dim3A_87 = arith.constant 0 : i32
    %broadcast_in_dim3A_88 = vector.broadcast %broadcast_in_dim3A_87 : i32 to vector<1x1xi32>
    %broadcast_in_dim3A_89 = arith.constant 0 : i32
    %broadcast_in_dim3A_90 = vector.broadcast %broadcast_in_dim3A_89 : i32 to vector<1x1xi32>
    %broadcast_in_dim3A_91 = arith.constant 0 : i32
    %broadcast_in_dim3A_92 = vector.broadcast %broadcast_in_dim3A_91 : i32 to vector<1x1xi32>
    %broadcast_in_dim3A_93 = arith.constant 0 : i32
    %broadcast_in_dim3A_94 = vector.broadcast %broadcast_in_dim3A_93 : i32 to vector<1x1xi32>
    %broadcast_in_dim3A_95 = arith.constant 0 : i32
    %broadcast_in_dim3A_96 = vector.broadcast %broadcast_in_dim3A_95 : i32 to vector<8x256xi32>
    %broadcast_in_dim3A_97 = arith.constant 0 : i32
    %broadcast_in_dim3A_98 = vector.broadcast %broadcast_in_dim3A_97 : i32 to vector<8x256xi32>
    %broadcast_in_dim3A_99 = arith.constant 0 : i32
    %broadcast_in_dim3A_100 = vector.broadcast %broadcast_in_dim3A_99 : i32 to vector<8x256xi32>
    %broadcast_in_dim3A_101 = arith.constant 0 : i32
    %broadcast_in_dim3A_102 = vector.broadcast %broadcast_in_dim3A_101 : i32 to vector<8x256xi32>
    %scan3A = arith.constant 0 : i32
    %scan3A_103 = arith.constant 2048 : i32
    %scan3A_104 = arith.addi %scan3A, %scan3A_103 : i32
    %scan3A_105 = arith.constant 1 : i32
    %scan3A_106:12 = scf.for %scan3A_131 = %scan3A to %scan3A_104 step %scan3A_105 iter_args(%scan3A_132 = %broadcast_in_dim3A_80, %scan3A_133 = %broadcast_in_dim3A_82, %scan3A_134 = %broadcast_in_dim3A_84, %scan3A_135 = %broadcast_in_dim3A_86, %scan3A_136 = %broadcast_in_dim3A_88, %scan3A_137 = %broadcast_in_dim3A_90, %scan3A_138 = %broadcast_in_dim3A_92, %scan3A_139 = %broadcast_in_dim3A_94, %scan3A_140 = %broadcast_in_dim3A_96, %scan3A_141 = %broadcast_in_dim3A_98, %scan3A_142 = %broadcast_in_dim3A_100, %scan3A_143 = %broadcast_in_dim3A_102) -> (vector<8x512xf32>, vector<8x512xf32>, vector<8x512xf32>, vector<8x512xf32>, vector<1x1xi32>, vector<1x1xi32>, vector<1x1xi32>, vector<1x1xi32>, vector<8x256xi32>, vector<8x256xi32>, vector<8x256xi32>, vector<8x256xi32>)  : i32 {
      %eq3A = vector.broadcast %scan3A_131 : i32 to vector<8x256xi32>
      %eq3A_144 = arith.cmpi eq, %add3A_79, %eq3A : vector<8x256xi32>
      %broadcast_in_dim3A_145 = vector.shape_cast %scan3A_136 : vector<1x1xi32> to vector<1x1xi32>
      %broadcast_in_dim3A_146 = vector.broadcast %broadcast_in_dim3A_145 : vector<1x1xi32> to vector<8x256xi32>
      %select_n3A = arith.select %eq3A_144, %broadcast_in_dim3A_146, %scan3A_140 : vector<8x256xi1>, vector<8x256xi32>
      %eq3A_147 = vector.broadcast %scan3A_136 : vector<1x1xi32> to vector<8x512xi32>
      %eq3A_148 = arith.cmpi eq, %add3A, %eq3A_147 : vector<8x512xi32>
      %jit3A = arith.constant 0.000000e+00 : f32
      %broadcast_in_dim3A_149 = vector.broadcast %jit3A : f32 to vector<8x512xf32>
      %select_n3A_150 = arith.select %eq3A_148, %get3A_4, %broadcast_in_dim3A_149 : vector<8x512xi1>, vector<8x512xf32>
      %reduce_sum3A = arith.constant dense<0.000000e+00> : vector<512xf32>
      %reduce_sum3A_151 = vector.multi_reduction <add>, %select_n3A_150, %reduce_sum3A [0] : vector<8x512xf32> to vector<512xf32>
      %broadcast_in_dim3A_152 = vector.shape_cast %reduce_sum3A_151 : vector<512xf32> to vector<1x512xf32>
      %reduce_sum3A_153 = arith.constant dense<0.000000e+00> : vector<1xf32>
      %reduce_sum3A_154 = vector.multi_reduction <add>, %broadcast_in_dim3A_152, %reduce_sum3A_153 [1] : vector<1x512xf32> to vector<1xf32>
      %broadcast_in_dim3A_155 = vector.shape_cast %reduce_sum3A_154 : vector<1xf32> to vector<1x1xf32>
      %jit3A_156 = arith.constant 0.000000e+00 : f32
      %broadcast_in_dim3A_157 = vector.broadcast %jit3A_156 : f32 to vector<8x512xf32>
      %select_n3A_158 = arith.select %eq3A_148, %get3A_10, %broadcast_in_dim3A_157 : vector<8x512xi1>, vector<8x512xf32>
      %reduce_sum3A_159 = arith.constant dense<0.000000e+00> : vector<512xf32>
      %reduce_sum3A_160 = vector.multi_reduction <add>, %select_n3A_158, %reduce_sum3A_159 [0] : vector<8x512xf32> to vector<512xf32>
      %broadcast_in_dim3A_161 = vector.shape_cast %reduce_sum3A_160 : vector<512xf32> to vector<1x512xf32>
      %reduce_sum3A_162 = arith.constant dense<0.000000e+00> : vector<1xf32>
      %reduce_sum3A_163 = vector.multi_reduction <add>, %broadcast_in_dim3A_161, %reduce_sum3A_162 [1] : vector<1x512xf32> to vector<1xf32>
      %broadcast_in_dim3A_164 = vector.shape_cast %reduce_sum3A_163 : vector<1xf32> to vector<1x1xf32>
      %jit3A_165 = arith.constant 0.000000e+00 : f32
      %broadcast_in_dim3A_166 = vector.broadcast %jit3A_165 : f32 to vector<8x512xf32>
      %select_n3A_167 = arith.select %eq3A_148, %get3A_16, %broadcast_in_dim3A_166 : vector<8x512xi1>, vector<8x512xf32>
      %reduce_sum3A_168 = arith.constant dense<0.000000e+00> : vector<512xf32>
      %reduce_sum3A_169 = vector.multi_reduction <add>, %select_n3A_167, %reduce_sum3A_168 [0] : vector<8x512xf32> to vector<512xf32>
      %broadcast_in_dim3A_170 = vector.shape_cast %reduce_sum3A_169 : vector<512xf32> to vector<1x512xf32>
      %reduce_sum3A_171 = arith.constant dense<0.000000e+00> : vector<1xf32>
      %reduce_sum3A_172 = vector.multi_reduction <add>, %broadcast_in_dim3A_170, %reduce_sum3A_171 [1] : vector<1x512xf32> to vector<1xf32>
      %broadcast_in_dim3A_173 = vector.shape_cast %reduce_sum3A_172 : vector<1xf32> to vector<1x1xf32>
      %sub3A = vector.broadcast %broadcast_in_dim3A_155 : vector<1x1xf32> to vector<8x512xf32>
      %sub3A_174 = arith.subf %get3A_4, %sub3A : vector<8x512xf32>
      %sub3A_175 = vector.broadcast %broadcast_in_dim3A_164 : vector<1x1xf32> to vector<8x512xf32>
      %sub3A_176 = arith.subf %get3A_10, %sub3A_175 : vector<8x512xf32>
      %sub3A_177 = vector.broadcast %broadcast_in_dim3A_173 : vector<1x1xf32> to vector<8x512xf32>
      %sub3A_178 = arith.subf %get3A_16, %sub3A_177 : vector<8x512xf32>
      %mul3A_179 = arith.mulf %sub3A_174, %sub3A_174 : vector<8x512xf32>
      %mul3A_180 = arith.mulf %sub3A_176, %sub3A_176 : vector<8x512xf32>
      %add3A_181 = arith.addf %mul3A_179, %mul3A_180 : vector<8x512xf32>
      %mul3A_182 = arith.mulf %sub3A_178, %sub3A_178 : vector<8x512xf32>
      %add3A_183 = arith.addf %add3A_181, %mul3A_182 : vector<8x512xf32>
      %min3A = arith.minimumf %scan3A_132, %add3A_183 : vector<8x512xf32>
      %reduce_max3A = arith.constant dense<0xFF800000> : vector<512xf32>
      %reduce_max3A_184 = vector.multi_reduction <maximumf>, %min3A, %reduce_max3A [0] : vector<8x512xf32> to vector<512xf32>
      %broadcast_in_dim3A_185 = vector.shape_cast %reduce_max3A_184 : vector<512xf32> to vector<1x512xf32>
      %reduce_max3A_186 = arith.constant dense<0xFF800000> : vector<1xf32>
      %reduce_max3A_187 = vector.multi_reduction <maximumf>, %broadcast_in_dim3A_185, %reduce_max3A_186 [1] : vector<1x512xf32> to vector<1xf32>
      %broadcast_in_dim3A_188 = vector.shape_cast %reduce_max3A_187 : vector<1xf32> to vector<1x1xf32>
      %eq3A_189 = vector.broadcast %broadcast_in_dim3A_188 : vector<1x1xf32> to vector<8x512xf32>
      %eq3A_190 = arith.cmpf oeq, %min3A, %eq3A_189 : vector<8x512xf32>
      %jit3A_191 = arith.constant 4096 : i32
      %broadcast_in_dim3A_192 = vector.broadcast %jit3A_191 : i32 to vector<8x512xi32>
      %select_n3A_193 = arith.select %eq3A_190, %add3A, %broadcast_in_dim3A_192 : vector<8x512xi1>, vector<8x512xi32>
      %reduce_min3A = arith.constant dense<2147483647> : vector<512xi32>
      %reduce_min3A_194 = vector.multi_reduction <minsi>, %select_n3A_193, %reduce_min3A [0] : vector<8x512xi32> to vector<512xi32>
      %broadcast_in_dim3A_195 = vector.shape_cast %reduce_min3A_194 : vector<512xi32> to vector<1x512xi32>
      %reduce_min3A_196 = arith.constant dense<2147483647> : vector<1xi32>
      %reduce_min3A_197 = vector.multi_reduction <minsi>, %broadcast_in_dim3A_195, %reduce_min3A_196 [1] : vector<1x512xi32> to vector<1xi32>
      %broadcast_in_dim3A_198 = vector.shape_cast %reduce_min3A_197 : vector<1xi32> to vector<1x1xi32>
      %eq3A_199 = vector.broadcast %scan3A_131 : i32 to vector<8x256xi32>
      %eq3A_200 = arith.cmpi eq, %add3A_79, %eq3A_199 : vector<8x256xi32>
      %broadcast_in_dim3A_201 = vector.shape_cast %scan3A_137 : vector<1x1xi32> to vector<1x1xi32>
      %broadcast_in_dim3A_202 = vector.broadcast %broadcast_in_dim3A_201 : vector<1x1xi32> to vector<8x256xi32>
      %select_n3A_203 = arith.select %eq3A_200, %broadcast_in_dim3A_202, %scan3A_141 : vector<8x256xi1>, vector<8x256xi32>
      %eq3A_204 = vector.broadcast %scan3A_137 : vector<1x1xi32> to vector<8x512xi32>
      %eq3A_205 = arith.cmpi eq, %add3A, %eq3A_204 : vector<8x512xi32>
      %jit3A_206 = arith.constant 0.000000e+00 : f32
      %broadcast_in_dim3A_207 = vector.broadcast %jit3A_206 : f32 to vector<8x512xf32>
      %select_n3A_208 = arith.select %eq3A_205, %get3A_22, %broadcast_in_dim3A_207 : vector<8x512xi1>, vector<8x512xf32>
      %reduce_sum3A_209 = arith.constant dense<0.000000e+00> : vector<512xf32>
      %reduce_sum3A_210 = vector.multi_reduction <add>, %select_n3A_208, %reduce_sum3A_209 [0] : vector<8x512xf32> to vector<512xf32>
      %broadcast_in_dim3A_211 = vector.shape_cast %reduce_sum3A_210 : vector<512xf32> to vector<1x512xf32>
      %reduce_sum3A_212 = arith.constant dense<0.000000e+00> : vector<1xf32>
      %reduce_sum3A_213 = vector.multi_reduction <add>, %broadcast_in_dim3A_211, %reduce_sum3A_212 [1] : vector<1x512xf32> to vector<1xf32>
      %broadcast_in_dim3A_214 = vector.shape_cast %reduce_sum3A_213 : vector<1xf32> to vector<1x1xf32>
      %jit3A_215 = arith.constant 0.000000e+00 : f32
      %broadcast_in_dim3A_216 = vector.broadcast %jit3A_215 : f32 to vector<8x512xf32>
      %select_n3A_217 = arith.select %eq3A_205, %get3A_28, %broadcast_in_dim3A_216 : vector<8x512xi1>, vector<8x512xf32>
      %reduce_sum3A_218 = arith.constant dense<0.000000e+00> : vector<512xf32>
      %reduce_sum3A_219 = vector.multi_reduction <add>, %select_n3A_217, %reduce_sum3A_218 [0] : vector<8x512xf32> to vector<512xf32>
      %broadcast_in_dim3A_220 = vector.shape_cast %reduce_sum3A_219 : vector<512xf32> to vector<1x512xf32>
      %reduce_sum3A_221 = arith.constant dense<0.000000e+00> : vector<1xf32>
      %reduce_sum3A_222 = vector.multi_reduction <add>, %broadcast_in_dim3A_220, %reduce_sum3A_221 [1] : vector<1x512xf32> to vector<1xf32>
      %broadcast_in_dim3A_223 = vector.shape_cast %reduce_sum3A_222 : vector<1xf32> to vector<1x1xf32>
      %jit3A_224 = arith.constant 0.000000e+00 : f32
      %broadcast_in_dim3A_225 = vector.broadcast %jit3A_224 : f32 to vector<8x512xf32>
      %select_n3A_226 = arith.select %eq3A_205, %get3A_34, %broadcast_in_dim3A_225 : vector<8x512xi1>, vector<8x512xf32>
      %reduce_sum3A_227 = arith.constant dense<0.000000e+00> : vector<512xf32>
      %reduce_sum3A_228 = vector.multi_reduction <add>, %select_n3A_226, %reduce_sum3A_227 [0] : vector<8x512xf32> to vector<512xf32>
      %broadcast_in_dim3A_229 = vector.shape_cast %reduce_sum3A_228 : vector<512xf32> to vector<1x512xf32>
      %reduce_sum3A_230 = arith.constant dense<0.000000e+00> : vector<1xf32>
      %reduce_sum3A_231 = vector.multi_reduction <add>, %broadcast_in_dim3A_229, %reduce_sum3A_230 [1] : vector<1x512xf32> to vector<1xf32>
      %broadcast_in_dim3A_232 = vector.shape_cast %reduce_sum3A_231 : vector<1xf32> to vector<1x1xf32>
      %sub3A_233 = vector.broadcast %broadcast_in_dim3A_214 : vector<1x1xf32> to vector<8x512xf32>
      %sub3A_234 = arith.subf %get3A_22, %sub3A_233 : vector<8x512xf32>
      %sub3A_235 = vector.broadcast %broadcast_in_dim3A_223 : vector<1x1xf32> to vector<8x512xf32>
      %sub3A_236 = arith.subf %get3A_28, %sub3A_235 : vector<8x512xf32>
      %sub3A_237 = vector.broadcast %broadcast_in_dim3A_232 : vector<1x1xf32> to vector<8x512xf32>
      %sub3A_238 = arith.subf %get3A_34, %sub3A_237 : vector<8x512xf32>
      %mul3A_239 = arith.mulf %sub3A_234, %sub3A_234 : vector<8x512xf32>
      %mul3A_240 = arith.mulf %sub3A_236, %sub3A_236 : vector<8x512xf32>
      %add3A_241 = arith.addf %mul3A_239, %mul3A_240 : vector<8x512xf32>
      %mul3A_242 = arith.mulf %sub3A_238, %sub3A_238 : vector<8x512xf32>
      %add3A_243 = arith.addf %add3A_241, %mul3A_242 : vector<8x512xf32>
      %min3A_244 = arith.minimumf %scan3A_133, %add3A_243 : vector<8x512xf32>
      %reduce_max3A_245 = arith.constant dense<0xFF800000> : vector<512xf32>
      %reduce_max3A_246 = vector.multi_reduction <maximumf>, %min3A_244, %reduce_max3A_245 [0] : vector<8x512xf32> to vector<512xf32>
      %broadcast_in_dim3A_247 = vector.shape_cast %reduce_max3A_246 : vector<512xf32> to vector<1x512xf32>
      %reduce_max3A_248 = arith.constant dense<0xFF800000> : vector<1xf32>
      %reduce_max3A_249 = vector.multi_reduction <maximumf>, %broadcast_in_dim3A_247, %reduce_max3A_248 [1] : vector<1x512xf32> to vector<1xf32>
      %broadcast_in_dim3A_250 = vector.shape_cast %reduce_max3A_249 : vector<1xf32> to vector<1x1xf32>
      %eq3A_251 = vector.broadcast %broadcast_in_dim3A_250 : vector<1x1xf32> to vector<8x512xf32>
      %eq3A_252 = arith.cmpf oeq, %min3A_244, %eq3A_251 : vector<8x512xf32>
      %jit3A_253 = arith.constant 4096 : i32
      %broadcast_in_dim3A_254 = vector.broadcast %jit3A_253 : i32 to vector<8x512xi32>
      %select_n3A_255 = arith.select %eq3A_252, %add3A, %broadcast_in_dim3A_254 : vector<8x512xi1>, vector<8x512xi32>
      %reduce_min3A_256 = arith.constant dense<2147483647> : vector<512xi32>
      %reduce_min3A_257 = vector.multi_reduction <minsi>, %select_n3A_255, %reduce_min3A_256 [0] : vector<8x512xi32> to vector<512xi32>
      %broadcast_in_dim3A_258 = vector.shape_cast %reduce_min3A_257 : vector<512xi32> to vector<1x512xi32>
      %reduce_min3A_259 = arith.constant dense<2147483647> : vector<1xi32>
      %reduce_min3A_260 = vector.multi_reduction <minsi>, %broadcast_in_dim3A_258, %reduce_min3A_259 [1] : vector<1x512xi32> to vector<1xi32>
      %broadcast_in_dim3A_261 = vector.shape_cast %reduce_min3A_260 : vector<1xi32> to vector<1x1xi32>
      %eq3A_262 = vector.broadcast %scan3A_131 : i32 to vector<8x256xi32>
      %eq3A_263 = arith.cmpi eq, %add3A_79, %eq3A_262 : vector<8x256xi32>
      %broadcast_in_dim3A_264 = vector.shape_cast %scan3A_138 : vector<1x1xi32> to vector<1x1xi32>
      %broadcast_in_dim3A_265 = vector.broadcast %broadcast_in_dim3A_264 : vector<1x1xi32> to vector<8x256xi32>
      %select_n3A_266 = arith.select %eq3A_263, %broadcast_in_dim3A_265, %scan3A_142 : vector<8x256xi1>, vector<8x256xi32>
      %eq3A_267 = vector.broadcast %scan3A_138 : vector<1x1xi32> to vector<8x512xi32>
      %eq3A_268 = arith.cmpi eq, %add3A, %eq3A_267 : vector<8x512xi32>
      %jit3A_269 = arith.constant 0.000000e+00 : f32
      %broadcast_in_dim3A_270 = vector.broadcast %jit3A_269 : f32 to vector<8x512xf32>
      %select_n3A_271 = arith.select %eq3A_268, %get3A_40, %broadcast_in_dim3A_270 : vector<8x512xi1>, vector<8x512xf32>
      %reduce_sum3A_272 = arith.constant dense<0.000000e+00> : vector<512xf32>
      %reduce_sum3A_273 = vector.multi_reduction <add>, %select_n3A_271, %reduce_sum3A_272 [0] : vector<8x512xf32> to vector<512xf32>
      %broadcast_in_dim3A_274 = vector.shape_cast %reduce_sum3A_273 : vector<512xf32> to vector<1x512xf32>
      %reduce_sum3A_275 = arith.constant dense<0.000000e+00> : vector<1xf32>
      %reduce_sum3A_276 = vector.multi_reduction <add>, %broadcast_in_dim3A_274, %reduce_sum3A_275 [1] : vector<1x512xf32> to vector<1xf32>
      %broadcast_in_dim3A_277 = vector.shape_cast %reduce_sum3A_276 : vector<1xf32> to vector<1x1xf32>
      %jit3A_278 = arith.constant 0.000000e+00 : f32
      %broadcast_in_dim3A_279 = vector.broadcast %jit3A_278 : f32 to vector<8x512xf32>
      %select_n3A_280 = arith.select %eq3A_268, %get3A_46, %broadcast_in_dim3A_279 : vector<8x512xi1>, vector<8x512xf32>
      %reduce_sum3A_281 = arith.constant dense<0.000000e+00> : vector<512xf32>
      %reduce_sum3A_282 = vector.multi_reduction <add>, %select_n3A_280, %reduce_sum3A_281 [0] : vector<8x512xf32> to vector<512xf32>
      %broadcast_in_dim3A_283 = vector.shape_cast %reduce_sum3A_282 : vector<512xf32> to vector<1x512xf32>
      %reduce_sum3A_284 = arith.constant dense<0.000000e+00> : vector<1xf32>
      %reduce_sum3A_285 = vector.multi_reduction <add>, %broadcast_in_dim3A_283, %reduce_sum3A_284 [1] : vector<1x512xf32> to vector<1xf32>
      %broadcast_in_dim3A_286 = vector.shape_cast %reduce_sum3A_285 : vector<1xf32> to vector<1x1xf32>
      %jit3A_287 = arith.constant 0.000000e+00 : f32
      %broadcast_in_dim3A_288 = vector.broadcast %jit3A_287 : f32 to vector<8x512xf32>
      %select_n3A_289 = arith.select %eq3A_268, %get3A_52, %broadcast_in_dim3A_288 : vector<8x512xi1>, vector<8x512xf32>
      %reduce_sum3A_290 = arith.constant dense<0.000000e+00> : vector<512xf32>
      %reduce_sum3A_291 = vector.multi_reduction <add>, %select_n3A_289, %reduce_sum3A_290 [0] : vector<8x512xf32> to vector<512xf32>
      %broadcast_in_dim3A_292 = vector.shape_cast %reduce_sum3A_291 : vector<512xf32> to vector<1x512xf32>
      %reduce_sum3A_293 = arith.constant dense<0.000000e+00> : vector<1xf32>
      %reduce_sum3A_294 = vector.multi_reduction <add>, %broadcast_in_dim3A_292, %reduce_sum3A_293 [1] : vector<1x512xf32> to vector<1xf32>
      %broadcast_in_dim3A_295 = vector.shape_cast %reduce_sum3A_294 : vector<1xf32> to vector<1x1xf32>
      %sub3A_296 = vector.broadcast %broadcast_in_dim3A_277 : vector<1x1xf32> to vector<8x512xf32>
      %sub3A_297 = arith.subf %get3A_40, %sub3A_296 : vector<8x512xf32>
      %sub3A_298 = vector.broadcast %broadcast_in_dim3A_286 : vector<1x1xf32> to vector<8x512xf32>
      %sub3A_299 = arith.subf %get3A_46, %sub3A_298 : vector<8x512xf32>
      %sub3A_300 = vector.broadcast %broadcast_in_dim3A_295 : vector<1x1xf32> to vector<8x512xf32>
      %sub3A_301 = arith.subf %get3A_52, %sub3A_300 : vector<8x512xf32>
      %mul3A_302 = arith.mulf %sub3A_297, %sub3A_297 : vector<8x512xf32>
      %mul3A_303 = arith.mulf %sub3A_299, %sub3A_299 : vector<8x512xf32>
      %add3A_304 = arith.addf %mul3A_302, %mul3A_303 : vector<8x512xf32>
      %mul3A_305 = arith.mulf %sub3A_301, %sub3A_301 : vector<8x512xf32>
      %add3A_306 = arith.addf %add3A_304, %mul3A_305 : vector<8x512xf32>
      %min3A_307 = arith.minimumf %scan3A_134, %add3A_306 : vector<8x512xf32>
      %reduce_max3A_308 = arith.constant dense<0xFF800000> : vector<512xf32>
      %reduce_max3A_309 = vector.multi_reduction <maximumf>, %min3A_307, %reduce_max3A_308 [0] : vector<8x512xf32> to vector<512xf32>
      %broadcast_in_dim3A_310 = vector.shape_cast %reduce_max3A_309 : vector<512xf32> to vector<1x512xf32>
      %reduce_max3A_311 = arith.constant dense<0xFF800000> : vector<1xf32>
      %reduce_max3A_312 = vector.multi_reduction <maximumf>, %broadcast_in_dim3A_310, %reduce_max3A_311 [1] : vector<1x512xf32> to vector<1xf32>
      %broadcast_in_dim3A_313 = vector.shape_cast %reduce_max3A_312 : vector<1xf32> to vector<1x1xf32>
      %eq3A_314 = vector.broadcast %broadcast_in_dim3A_313 : vector<1x1xf32> to vector<8x512xf32>
      %eq3A_315 = arith.cmpf oeq, %min3A_307, %eq3A_314 : vector<8x512xf32>
      %jit3A_316 = arith.constant 4096 : i32
      %broadcast_in_dim3A_317 = vector.broadcast %jit3A_316 : i32 to vector<8x512xi32>
      %select_n3A_318 = arith.select %eq3A_315, %add3A, %broadcast_in_dim3A_317 : vector<8x512xi1>, vector<8x512xi32>
      %reduce_min3A_319 = arith.constant dense<2147483647> : vector<512xi32>
      %reduce_min3A_320 = vector.multi_reduction <minsi>, %select_n3A_318, %reduce_min3A_319 [0] : vector<8x512xi32> to vector<512xi32>
      %broadcast_in_dim3A_321 = vector.shape_cast %reduce_min3A_320 : vector<512xi32> to vector<1x512xi32>
      %reduce_min3A_322 = arith.constant dense<2147483647> : vector<1xi32>
      %reduce_min3A_323 = vector.multi_reduction <minsi>, %broadcast_in_dim3A_321, %reduce_min3A_322 [1] : vector<1x512xi32> to vector<1xi32>
      %broadcast_in_dim3A_324 = vector.shape_cast %reduce_min3A_323 : vector<1xi32> to vector<1x1xi32>
      %eq3A_325 = vector.broadcast %scan3A_131 : i32 to vector<8x256xi32>
      %eq3A_326 = arith.cmpi eq, %add3A_79, %eq3A_325 : vector<8x256xi32>
      %broadcast_in_dim3A_327 = vector.shape_cast %scan3A_139 : vector<1x1xi32> to vector<1x1xi32>
      %broadcast_in_dim3A_328 = vector.broadcast %broadcast_in_dim3A_327 : vector<1x1xi32> to vector<8x256xi32>
      %select_n3A_329 = arith.select %eq3A_326, %broadcast_in_dim3A_328, %scan3A_143 : vector<8x256xi1>, vector<8x256xi32>
      %eq3A_330 = vector.broadcast %scan3A_139 : vector<1x1xi32> to vector<8x512xi32>
      %eq3A_331 = arith.cmpi eq, %add3A, %eq3A_330 : vector<8x512xi32>
      %jit3A_332 = arith.constant 0.000000e+00 : f32
      %broadcast_in_dim3A_333 = vector.broadcast %jit3A_332 : f32 to vector<8x512xf32>
      %select_n3A_334 = arith.select %eq3A_331, %get3A_58, %broadcast_in_dim3A_333 : vector<8x512xi1>, vector<8x512xf32>
      %reduce_sum3A_335 = arith.constant dense<0.000000e+00> : vector<512xf32>
      %reduce_sum3A_336 = vector.multi_reduction <add>, %select_n3A_334, %reduce_sum3A_335 [0] : vector<8x512xf32> to vector<512xf32>
      %broadcast_in_dim3A_337 = vector.shape_cast %reduce_sum3A_336 : vector<512xf32> to vector<1x512xf32>
      %reduce_sum3A_338 = arith.constant dense<0.000000e+00> : vector<1xf32>
      %reduce_sum3A_339 = vector.multi_reduction <add>, %broadcast_in_dim3A_337, %reduce_sum3A_338 [1] : vector<1x512xf32> to vector<1xf32>
      %broadcast_in_dim3A_340 = vector.shape_cast %reduce_sum3A_339 : vector<1xf32> to vector<1x1xf32>
      %jit3A_341 = arith.constant 0.000000e+00 : f32
      %broadcast_in_dim3A_342 = vector.broadcast %jit3A_341 : f32 to vector<8x512xf32>
      %select_n3A_343 = arith.select %eq3A_331, %get3A_64, %broadcast_in_dim3A_342 : vector<8x512xi1>, vector<8x512xf32>
      %reduce_sum3A_344 = arith.constant dense<0.000000e+00> : vector<512xf32>
      %reduce_sum3A_345 = vector.multi_reduction <add>, %select_n3A_343, %reduce_sum3A_344 [0] : vector<8x512xf32> to vector<512xf32>
      %broadcast_in_dim3A_346 = vector.shape_cast %reduce_sum3A_345 : vector<512xf32> to vector<1x512xf32>
      %reduce_sum3A_347 = arith.constant dense<0.000000e+00> : vector<1xf32>
      %reduce_sum3A_348 = vector.multi_reduction <add>, %broadcast_in_dim3A_346, %reduce_sum3A_347 [1] : vector<1x512xf32> to vector<1xf32>
      %broadcast_in_dim3A_349 = vector.shape_cast %reduce_sum3A_348 : vector<1xf32> to vector<1x1xf32>
      %jit3A_350 = arith.constant 0.000000e+00 : f32
      %broadcast_in_dim3A_351 = vector.broadcast %jit3A_350 : f32 to vector<8x512xf32>
      %select_n3A_352 = arith.select %eq3A_331, %get3A_70, %broadcast_in_dim3A_351 : vector<8x512xi1>, vector<8x512xf32>
      %reduce_sum3A_353 = arith.constant dense<0.000000e+00> : vector<512xf32>
      %reduce_sum3A_354 = vector.multi_reduction <add>, %select_n3A_352, %reduce_sum3A_353 [0] : vector<8x512xf32> to vector<512xf32>
      %broadcast_in_dim3A_355 = vector.shape_cast %reduce_sum3A_354 : vector<512xf32> to vector<1x512xf32>
      %reduce_sum3A_356 = arith.constant dense<0.000000e+00> : vector<1xf32>
      %reduce_sum3A_357 = vector.multi_reduction <add>, %broadcast_in_dim3A_355, %reduce_sum3A_356 [1] : vector<1x512xf32> to vector<1xf32>
      %broadcast_in_dim3A_358 = vector.shape_cast %reduce_sum3A_357 : vector<1xf32> to vector<1x1xf32>
      %sub3A_359 = vector.broadcast %broadcast_in_dim3A_340 : vector<1x1xf32> to vector<8x512xf32>
      %sub3A_360 = arith.subf %get3A_58, %sub3A_359 : vector<8x512xf32>
      %sub3A_361 = vector.broadcast %broadcast_in_dim3A_349 : vector<1x1xf32> to vector<8x512xf32>
      %sub3A_362 = arith.subf %get3A_64, %sub3A_361 : vector<8x512xf32>
      %sub3A_363 = vector.broadcast %broadcast_in_dim3A_358 : vector<1x1xf32> to vector<8x512xf32>
      %sub3A_364 = arith.subf %get3A_70, %sub3A_363 : vector<8x512xf32>
      %mul3A_365 = arith.mulf %sub3A_360, %sub3A_360 : vector<8x512xf32>
      %mul3A_366 = arith.mulf %sub3A_362, %sub3A_362 : vector<8x512xf32>
      %add3A_367 = arith.addf %mul3A_365, %mul3A_366 : vector<8x512xf32>
      %mul3A_368 = arith.mulf %sub3A_364, %sub3A_364 : vector<8x512xf32>
      %add3A_369 = arith.addf %add3A_367, %mul3A_368 : vector<8x512xf32>
      %min3A_370 = arith.minimumf %scan3A_135, %add3A_369 : vector<8x512xf32>
      %reduce_max3A_371 = arith.constant dense<0xFF800000> : vector<512xf32>
      %reduce_max3A_372 = vector.multi_reduction <maximumf>, %min3A_370, %reduce_max3A_371 [0] : vector<8x512xf32> to vector<512xf32>
      %broadcast_in_dim3A_373 = vector.shape_cast %reduce_max3A_372 : vector<512xf32> to vector<1x512xf32>
      %reduce_max3A_374 = arith.constant dense<0xFF800000> : vector<1xf32>
      %reduce_max3A_375 = vector.multi_reduction <maximumf>, %broadcast_in_dim3A_373, %reduce_max3A_374 [1] : vector<1x512xf32> to vector<1xf32>
      %broadcast_in_dim3A_376 = vector.shape_cast %reduce_max3A_375 : vector<1xf32> to vector<1x1xf32>
      %eq3A_377 = vector.broadcast %broadcast_in_dim3A_376 : vector<1x1xf32> to vector<8x512xf32>
      %eq3A_378 = arith.cmpf oeq, %min3A_370, %eq3A_377 : vector<8x512xf32>
      %jit3A_379 = arith.constant 4096 : i32
      %broadcast_in_dim3A_380 = vector.broadcast %jit3A_379 : i32 to vector<8x512xi32>
      %select_n3A_381 = arith.select %eq3A_378, %add3A, %broadcast_in_dim3A_380 : vector<8x512xi1>, vector<8x512xi32>
      %reduce_min3A_382 = arith.constant dense<2147483647> : vector<512xi32>
      %reduce_min3A_383 = vector.multi_reduction <minsi>, %select_n3A_381, %reduce_min3A_382 [0] : vector<8x512xi32> to vector<512xi32>
      %broadcast_in_dim3A_384 = vector.shape_cast %reduce_min3A_383 : vector<512xi32> to vector<1x512xi32>
      %reduce_min3A_385 = arith.constant dense<2147483647> : vector<1xi32>
      %reduce_min3A_386 = vector.multi_reduction <minsi>, %broadcast_in_dim3A_384, %reduce_min3A_385 [1] : vector<1x512xi32> to vector<1xi32>
      %broadcast_in_dim3A_387 = vector.shape_cast %reduce_min3A_386 : vector<1xi32> to vector<1x1xi32>
      scf.yield %min3A, %min3A_244, %min3A_307, %min3A_370, %broadcast_in_dim3A_198, %broadcast_in_dim3A_261, %broadcast_in_dim3A_324, %broadcast_in_dim3A_387, %select_n3A, %select_n3A_203, %select_n3A_266, %select_n3A_329 : vector<8x512xf32>, vector<8x512xf32>, vector<8x512xf32>, vector<8x512xf32>, vector<1x1xi32>, vector<1x1xi32>, vector<1x1xi32>, vector<1x1xi32>, vector<8x256xi32>, vector<8x256xi32>, vector<8x256xi32>, vector<8x256xi32>
    }
    %scan3A_107 = arith.constant 2048 : i32
    %swap3A = arith.constant 0 : index
    %swap3A_108 = arith.constant 0 : index
    %swap3A_109 = arith.constant 0 : index
    %swap3A_110 = vector.load %arg1[%swap3A, %swap3A_108, %swap3A_109] : memref<4x8x256xi32, #tpu.memory_space<vmem>>, vector<1x8x256xi32>
    %swap3A_111 = vector.shape_cast %swap3A_110 : vector<1x8x256xi32> to vector<8x256xi32>
    %swap3A_112 = vector.shape_cast %scan3A_106#8 : vector<8x256xi32> to vector<1x8x256xi32>
    tpu.vector_store %arg1[%swap3A, %swap3A_108, %swap3A_109], %swap3A_112 {strides = array<i32>} : memref<4x8x256xi32, #tpu.memory_space<vmem>>, vector<1x8x256xi32>,
    %swap3A_113 = arith.constant 1 : index
    %swap3A_114 = arith.constant 0 : index
    %swap3A_115 = arith.constant 0 : index
    %swap3A_116 = vector.load %arg1[%swap3A_113, %swap3A_114, %swap3A_115] : memref<4x8x256xi32, #tpu.memory_space<vmem>>, vector<1x8x256xi32>
    %swap3A_117 = vector.shape_cast %swap3A_116 : vector<1x8x256xi32> to vector<8x256xi32>
    %swap3A_118 = vector.shape_cast %scan3A_106#9 : vector<8x256xi32> to vector<1x8x256xi32>
    tpu.vector_store %arg1[%swap3A_113, %swap3A_114, %swap3A_115], %swap3A_118 {strides = array<i32>} : memref<4x8x256xi32, #tpu.memory_space<vmem>>, vector<1x8x256xi32>,
    %swap3A_119 = arith.constant 2 : index
    %swap3A_120 = arith.constant 0 : index
    %swap3A_121 = arith.constant 0 : index
    %swap3A_122 = vector.load %arg1[%swap3A_119, %swap3A_120, %swap3A_121] : memref<4x8x256xi32, #tpu.memory_space<vmem>>, vector<1x8x256xi32>
    %swap3A_123 = vector.shape_cast %swap3A_122 : vector<1x8x256xi32> to vector<8x256xi32>
    %swap3A_124 = vector.shape_cast %scan3A_106#10 : vector<8x256xi32> to vector<1x8x256xi32>
    tpu.vector_store %arg1[%swap3A_119, %swap3A_120, %swap3A_121], %swap3A_124 {strides = array<i32>} : memref<4x8x256xi32, #tpu.memory_space<vmem>>, vector<1x8x256xi32>,
    %swap3A_125 = arith.constant 3 : index
    %swap3A_126 = arith.constant 0 : index
    %swap3A_127 = arith.constant 0 : index
    %swap3A_128 = vector.load %arg1[%swap3A_125, %swap3A_126, %swap3A_127] : memref<4x8x256xi32, #tpu.memory_space<vmem>>, vector<1x8x256xi32>
    %swap3A_129 = vector.shape_cast %swap3A_128 : vector<1x8x256xi32> to vector<8x256xi32>
    %swap3A_130 = vector.shape_cast %scan3A_106#11 : vector<8x256xi32> to vector<1x8x256xi32>
    tpu.vector_store %arg1[%swap3A_125, %swap3A_126, %swap3A_127], %swap3A_130 {strides = array<i32>} : memref<4x8x256xi32, #tpu.memory_space<vmem>>, vector<1x8x256xi32>,
    return
  }
}

module attributes {stable_mosaic.version = 14 : i64} {
  func.func @_agg_body(%arg0: i32, %arg1: i32, %arg2: memref<1x256x8xf32, #tpu.memory_space<vmem>>, %arg3: memref<1x256x64xf32, #tpu.memory_space<vmem>>, %arg4: memref<1x8x4096xf32, #tpu.memory_space<vmem>>, %arg5: memref<1x4096x64xf32, #tpu.memory_space<vmem>>, %arg6: memref<64x64xf32, #tpu.memory_space<vmem>>, %arg7: memref<1x64xf32, #tpu.memory_space<vmem>>, %arg8: memref<1x256x64xf32, #tpu.memory_space<vmem>>, %arg9: memref<256x4096xf32, #tpu.memory_space<vmem>>) attributes {dimension_semantics = [#tpu.dimension_semantics<arbitrary>, #tpu.dimension_semantics<arbitrary>], iteration_bounds = array<i64: 4, 4>, scalar_prefetch = 0 : i64, scratch_operands = 1 : i64, tpu.core_type = #tpu.core_type<tc>, window_params = [{transform_indices = @transform_0, window_bounds = array<i64: 1, 256, 8>}, {transform_indices = @transform_1, window_bounds = array<i64: 1, 256, 64>}, {transform_indices = @transform_2, window_bounds = array<i64: 1, 8, 4096>}, {transform_indices = @transform_3, window_bounds = array<i64: 1, 4096, 64>}, {pipeline_mode = #tpu.pipeline_mode<synchronous>, transform_indices = @transform_4, window_bounds = array<i64: 64, 64>}, {pipeline_mode = #tpu.pipeline_mode<synchronous>, transform_indices = @transform_5, window_bounds = array<i64: 1, 64>}, {transform_indices = @transform_6, window_bounds = array<i64: 1, 256, 64>}]} {
    %get3A = arith.constant 0 : index
    %get3A_0 = arith.constant 0 : index
    %get3A_1 = arith.constant 0 : index
    %get3A_2 = vector.load %arg2[%get3A, %get3A_0, %get3A_1] : memref<1x256x8xf32, #tpu.memory_space<vmem>>, vector<1x256x8xf32>
    %get3A_3 = vector.shape_cast %get3A_2 : vector<1x256x8xf32> to vector<256x8xf32>
    %slice3A = vector.extract_strided_slice %get3A_3 {offsets = [0, 0], sizes = [256, 1], strides = [1, 1]} : vector<256x8xf32> to vector<256x1xf32>
    %slice3A_4 = vector.extract_strided_slice %get3A_3 {offsets = [0, 1], sizes = [256, 1], strides = [1, 1]} : vector<256x8xf32> to vector<256x1xf32>
    %slice3A_5 = vector.extract_strided_slice %get3A_3 {offsets = [0, 2], sizes = [256, 1], strides = [1, 1]} : vector<256x8xf32> to vector<256x1xf32>
    %slice3A_6 = vector.extract_strided_slice %get3A_3 {offsets = [0, 3], sizes = [256, 1], strides = [1, 1]} : vector<256x8xf32> to vector<256x1xf32>
    %get3A_7 = arith.constant 0 : index
    %get3A_8 = arith.constant 0 : index
    %get3A_9 = arith.constant 0 : index
    %get3A_10 = vector.load %arg4[%get3A_7, %get3A_8, %get3A_9] : memref<1x8x4096xf32, #tpu.memory_space<vmem>>, vector<1x1x4096xf32>
    %get3A_11 = vector.shape_cast %get3A_10 : vector<1x1x4096xf32> to vector<1x4096xf32>
    %get3A_12 = arith.constant 0 : index
    %get3A_13 = arith.constant 1 : index
    %get3A_14 = arith.constant 0 : index
    %get3A_15 = vector.load %arg4[%get3A_12, %get3A_13, %get3A_14] : memref<1x8x4096xf32, #tpu.memory_space<vmem>>, vector<1x1x4096xf32>
    %get3A_16 = vector.shape_cast %get3A_15 : vector<1x1x4096xf32> to vector<1x4096xf32>
    %get3A_17 = arith.constant 0 : index
    %get3A_18 = arith.constant 2 : index
    %get3A_19 = arith.constant 0 : index
    %get3A_20 = vector.load %arg4[%get3A_17, %get3A_18, %get3A_19] : memref<1x8x4096xf32, #tpu.memory_space<vmem>>, vector<1x1x4096xf32>
    %get3A_21 = vector.shape_cast %get3A_20 : vector<1x1x4096xf32> to vector<1x4096xf32>
    %sub3A = vector.broadcast %slice3A : vector<256x1xf32> to vector<256x4096xf32>
    %sub3A_22 = vector.broadcast %get3A_11 : vector<1x4096xf32> to vector<256x4096xf32>
    %sub3A_23 = arith.subf %sub3A, %sub3A_22 : vector<256x4096xf32>
    %sub3A_24 = vector.broadcast %slice3A_4 : vector<256x1xf32> to vector<256x4096xf32>
    %sub3A_25 = vector.broadcast %get3A_16 : vector<1x4096xf32> to vector<256x4096xf32>
    %sub3A_26 = arith.subf %sub3A_24, %sub3A_25 : vector<256x4096xf32>
    %sub3A_27 = vector.broadcast %slice3A_5 : vector<256x1xf32> to vector<256x4096xf32>
    %sub3A_28 = vector.broadcast %get3A_21 : vector<1x4096xf32> to vector<256x4096xf32>
    %sub3A_29 = arith.subf %sub3A_27, %sub3A_28 : vector<256x4096xf32>
    %mul3A = arith.mulf %sub3A_23, %sub3A_23 : vector<256x4096xf32>
    %mul3A_30 = arith.mulf %sub3A_26, %sub3A_26 : vector<256x4096xf32>
    %add3A = arith.addf %mul3A, %mul3A_30 : vector<256x4096xf32>
    %mul3A_31 = arith.mulf %sub3A_29, %sub3A_29 : vector<256x4096xf32>
    %add3A_32 = arith.addf %add3A, %mul3A_31 : vector<256x4096xf32>
    %swap3A = arith.constant 0 : index
    %swap3A_33 = arith.constant 0 : index
    %swap3A_34 = vector.load %arg9[%swap3A, %swap3A_33] : memref<256x4096xf32, #tpu.memory_space<vmem>>, vector<256x4096xf32>
    tpu.vector_store %arg9[%swap3A, %swap3A_33], %add3A_32 {strides = array<i32>} : memref<256x4096xf32, #tpu.memory_space<vmem>>, vector<256x4096xf32>,
    %get3A_35 = arith.constant 0 : index
    %get3A_36 = arith.constant 0 : index
    %get3A_37 = arith.constant 0 : index
    %get3A_38 = vector.load %arg3[%get3A_35, %get3A_36, %get3A_37] : memref<1x256x64xf32, #tpu.memory_space<vmem>>, vector<1x256x64xf32>
    %get3A_39 = vector.shape_cast %get3A_38 : vector<1x256x64xf32> to vector<256x64xf32>
    %iota3A = tpu.iota {dimensions = array<i32: 1>} : vector<1x4096xi32>
    %broadcast_in_dim3A = arith.constant -1.000000e+09 : f32
    %broadcast_in_dim3A_40 = vector.broadcast %broadcast_in_dim3A : f32 to vector<256x64xf32>
    %while3A = arith.constant 0 : i32
    %while3A_41 = arith.constant true
    %while3A_42:3 = scf.while (%while3A_64 = %while3A, %while3A_65 = %broadcast_in_dim3A_40, %while3A_66 = %while3A_41) : (i32, vector<256x64xf32>, i1) -> (i32, vector<256x64xf32>, i1) {
      %lt3A = arith.constant 32 : i32
      %lt3A_67 = arith.cmpi slt, %while3A_64, %lt3A : i32
      %and3A = arith.andi %lt3A_67, %while3A_66 : i1
      scf.condition(%and3A) %while3A_64, %while3A_65, %while3A_66 : i32, vector<256x64xf32>, i1
    } do {
    ^bb0(%while3A_64: i32, %while3A_65: vector<256x64xf32>, %while3A_66: i1):
      %get3A_67 = arith.constant 0 : index
      %get3A_68 = arith.constant 0 : index
      %get3A_69 = vector.load %arg9[%get3A_67, %get3A_68] : memref<256x4096xf32, #tpu.memory_space<vmem>>, vector<256x4096xf32>
      %reduce_min3A = arith.constant dense<0x7F800000> : vector<256xf32>
      %reduce_min3A_70 = vector.multi_reduction <minimumf>, %get3A_69, %reduce_min3A [1] : vector<256x4096xf32> to vector<256xf32>
      %broadcast_in_dim3A_71 = vector.shape_cast %reduce_min3A_70 : vector<256xf32> to vector<256x1xf32>
      %le3A = arith.cmpf ole, %broadcast_in_dim3A_71, %slice3A_6 : vector<256x1xf32>
      %eq3A = vector.broadcast %broadcast_in_dim3A_71 : vector<256x1xf32> to vector<256x4096xf32>
      %eq3A_72 = arith.cmpf oeq, %get3A_69, %eq3A : vector<256x4096xf32>
      %jit3A = arith.constant 4096 : i32
      %broadcast_in_dim3A_73 = vector.shape_cast %iota3A : vector<1x4096xi32> to vector<1x4096xi32>
      %broadcast_in_dim3A_74 = vector.broadcast %broadcast_in_dim3A_73 : vector<1x4096xi32> to vector<256x4096xi32>
      %broadcast_in_dim3A_75 = vector.broadcast %jit3A : i32 to vector<256x4096xi32>
      %select_n3A = arith.select %eq3A_72, %broadcast_in_dim3A_74, %broadcast_in_dim3A_75 : vector<256x4096xi1>, vector<256x4096xi32>
      %reduce_min3A_76 = arith.constant dense<2147483647> : vector<256xi32>
      %reduce_min3A_77 = vector.multi_reduction <minsi>, %select_n3A, %reduce_min3A_76 [1] : vector<256x4096xi32> to vector<256xi32>
      %broadcast_in_dim3A_78 = vector.shape_cast %reduce_min3A_77 : vector<256xi32> to vector<256x1xi32>
      %eq3A_79 = vector.broadcast %iota3A : vector<1x4096xi32> to vector<256x4096xi32>
      %eq3A_80 = vector.broadcast %broadcast_in_dim3A_78 : vector<256x1xi32> to vector<256x4096xi32>
      %eq3A_81 = arith.cmpi eq, %eq3A_79, %eq3A_80 : vector<256x4096xi32>
      %convert_element_type3A = arith.extui %eq3A_81 : vector<256x4096xi1> to vector<256x4096xi32>
      %convert_element_type3A_82 = arith.sitofp %convert_element_type3A : vector<256x4096xi32> to vector<256x4096xf32>
      %get3A_83 = arith.constant 0 : index
      %get3A_84 = arith.constant 0 : index
      %get3A_85 = arith.constant 0 : index
      %get3A_86 = vector.load %arg5[%get3A_83, %get3A_84, %get3A_85] : memref<1x4096x64xf32, #tpu.memory_space<vmem>>, vector<1x4096x64xf32>
      %get3A_87 = vector.shape_cast %get3A_86 : vector<1x4096x64xf32> to vector<4096x64xf32>
      %dot_general3A_88 = arith.constant dense<0.000000e+00> : vector<256x64xf32>
      %dot_general3A_89 = tpu.matmul %convert_element_type3A_82, %get3A_87, %dot_general3A_88 {dimension_numbers = #tpu.dot_dimension_numbers<[1], [0], [0], [1], [0, 0, 1, 1], [], []>, transpose_lhs_hint = false} : vector<256x4096xf32>, vector<4096x64xf32>, vector<256x64xf32> -> vector<256x64xf32>
      %sub3A_90 = arith.subf %dot_general3A_89, %get3A_39 : vector<256x64xf32>
      %max3A = arith.constant 0.000000e+00 : f32
      %max3A_91 = vector.broadcast %max3A : f32 to vector<256x64xf32>
      %max3A_92 = arith.maximumf %sub3A_90, %max3A_91 : vector<256x64xf32>
      %jit3A_93 = arith.constant -1.000000e+09 : f32
      %broadcast_in_dim3A_94 = vector.shape_cast %le3A : vector<256x1xi1> to vector<256x1xi1>
      %broadcast_in_dim3A_95 = vector.broadcast %broadcast_in_dim3A_94 : vector<256x1xi1> to vector<256x64xi1>
      %broadcast_in_dim3A_96 = vector.broadcast %jit3A_93 : f32 to vector<256x64xf32>
      %select_n3A_97 = arith.select %broadcast_in_dim3A_95, %max3A_92, %broadcast_in_dim3A_96 : vector<256x64xi1>, vector<256x64xf32>
      %max3A_98 = arith.maximumf %while3A_65, %select_n3A_97 : vector<256x64xf32>
      %jit3A_99 = arith.constant 1.000000e+30 : f32
      %broadcast_in_dim3A_100 = vector.broadcast %jit3A_99 : f32 to vector<256x4096xf32>
      %select_n3A_101 = arith.select %eq3A_81, %broadcast_in_dim3A_100, %get3A_69 : vector<256x4096xi1>, vector<256x4096xf32>
      %swap3A_102 = arith.constant 0 : index
      %swap3A_103 = arith.constant 0 : index
      %swap3A_104 = vector.load %arg9[%swap3A_102, %swap3A_103] : memref<256x4096xf32, #tpu.memory_space<vmem>>, vector<256x4096xf32>
      tpu.vector_store %arg9[%swap3A_102, %swap3A_103], %select_n3A_101 {strides = array<i32>} : memref<256x4096xf32, #tpu.memory_space<vmem>>, vector<256x4096xf32>,
      %add3A_105 = arith.constant 1 : i32
      %add3A_106 = arith.addi %while3A_64, %add3A_105 : i32
      %reduce_or3A = arith.constant 1.000000e+00 : f32
      %reduce_or3A_107 = arith.constant 0.000000e+00 : f32
      %reduce_or3A_108 = vector.broadcast %reduce_or3A : f32 to vector<256x1xf32>
      %reduce_or3A_109 = vector.broadcast %reduce_or3A_107 : f32 to vector<256x1xf32>
      %reduce_or3A_110 = arith.select %le3A, %reduce_or3A_108, %reduce_or3A_109 : vector<256x1xi1>, vector<256x1xf32>
      %reduce_or3A_111 = vector.shape_cast %reduce_or3A_110 : vector<256x1xf32> to vector<1x256x1xf32>
      %reduce_or3A_112 = arith.constant dense<0xFF800000> : vector<1xf32>
      %reduce_or3A_113 = vector.multi_reduction <maximumf>, %reduce_or3A_111, %reduce_or3A_112 [1, 2] : vector<1x256x1xf32> to vector<1xf32>
      %reduce_or3A_114 = vector.shape_cast %reduce_or3A_113 : vector<1xf32> to vector<1x1x1xf32>
      %reduce_or3A_115 = vector.extract %reduce_or3A_114[0, 0, 0] : f32 from vector<1x1x1xf32>
      %reduce_or3A_116 = arith.constant 0.000000e+00 : f32
      %reduce_or3A_117 = arith.cmpf ogt, %reduce_or3A_115, %reduce_or3A_116 : f32
      scf.yield %add3A_106, %max3A_98, %reduce_or3A_117 : i32, vector<256x64xf32>, i1
    }
    %get3A_43 = arith.constant 0 : index
    %get3A_44 = arith.constant 0 : index
    %get3A_45 = vector.load %arg6[%get3A_43, %get3A_44] : memref<64x64xf32, #tpu.memory_space<vmem>>, vector<64x64xf32>
    %dot_general3A = arith.constant dense<0.000000e+00> : vector<256x64xf32>
    %dot_general3A_46 = tpu.matmul %while3A_42#1, %get3A_45, %dot_general3A {dimension_numbers = #tpu.dot_dimension_numbers<[1], [0], [0], [1], [0, 0, 1, 1], [], []>, transpose_lhs_hint = false} : vector<256x64xf32>, vector<64x64xf32>, vector<256x64xf32> -> vector<256x64xf32>
    %get3A_47 = arith.constant 0 : index
    %get3A_48 = arith.constant 0 : index
    %get3A_49 = vector.load %arg7[%get3A_47, %get3A_48] : memref<1x64xf32, #tpu.memory_space<vmem>>, vector<1x64xf32>
    %add3A_50 = vector.broadcast %get3A_49 : vector<1x64xf32> to vector<256x64xf32>
    %add3A_51 = arith.addf %dot_general3A_46, %add3A_50 : vector<256x64xf32>
    %logistic3A = arith.negf %add3A_51 : vector<256x64xf32>
    %logistic3A_52 = math.exp %logistic3A : vector<256x64xf32>
    %logistic3A_53 = arith.constant 1.000000e+00 : f32
    %logistic3A_54 = vector.broadcast %logistic3A_53 : f32 to vector<256x64xf32>
    %logistic3A_55 = arith.addf %logistic3A_54, %logistic3A_52 : vector<256x64xf32>
    %logistic3A_56 = arith.divf %logistic3A_54, %logistic3A_55 : vector<256x64xf32>
    %mul3A_57 = arith.mulf %while3A_42#1, %logistic3A_56 : vector<256x64xf32>
    %swap3A_58 = arith.constant 0 : index
    %swap3A_59 = arith.constant 0 : index
    %swap3A_60 = arith.constant 0 : index
    %swap3A_61 = vector.load %arg8[%swap3A_58, %swap3A_59, %swap3A_60] : memref<1x256x64xf32, #tpu.memory_space<vmem>>, vector<1x256x64xf32>
    %swap3A_62 = vector.shape_cast %swap3A_61 : vector<1x256x64xf32> to vector<256x64xf32>
    %swap3A_63 = vector.shape_cast %mul3A_57 : vector<256x64xf32> to vector<1x256x64xf32>
    tpu.vector_store %arg8[%swap3A_58, %swap3A_59, %swap3A_60], %swap3A_63 {strides = array<i32>} : memref<1x256x64xf32, #tpu.memory_space<vmem>>, vector<1x256x64xf32>,
    return
  }
  func.func @transform_0(%arg0: i32, %arg1: i32) -> (i32, i32, i32) {
    %c0_i32 = arith.constant 0 : i32
    %c0_i32_0 = arith.constant 0 : i32
    return %arg0, %arg1, %c0_i32 : i32, i32, i32
  }
  func.func @transform_1(%arg0: i32, %arg1: i32) -> (i32, i32, i32) {
    %c0_i32 = arith.constant 0 : i32
    %c0_i32_0 = arith.constant 0 : i32
    return %arg0, %arg1, %c0_i32 : i32, i32, i32
  }
  func.func @transform_2(%arg0: i32, %arg1: i32) -> (i32, i32, i32) {
    %c0_i32 = arith.constant 0 : i32
    %c0_i32_0 = arith.constant 0 : i32
    %c0_i32_1 = arith.constant 0 : i32
    return %arg0, %c0_i32, %c0_i32_0 : i32, i32, i32
  }
  func.func @transform_3(%arg0: i32, %arg1: i32) -> (i32, i32, i32) {
    %c0_i32 = arith.constant 0 : i32
    %c0_i32_0 = arith.constant 0 : i32
    %c0_i32_1 = arith.constant 0 : i32
    return %arg0, %c0_i32, %c0_i32_0 : i32, i32, i32
  }
  func.func @transform_4(%arg0: i32, %arg1: i32) -> (i32, i32) {
    %c0_i32 = arith.constant 0 : i32
    %c0_i32_0 = arith.constant 0 : i32
    %c0_i32_1 = arith.constant 0 : i32
    return %c0_i32, %c0_i32_0 : i32, i32
  }
  func.func @transform_5(%arg0: i32, %arg1: i32) -> (i32, i32) {
    %c0_i32 = arith.constant 0 : i32
    %c0_i32_0 = arith.constant 0 : i32
    %c0_i32_1 = arith.constant 0 : i32
    return %c0_i32, %c0_i32_0 : i32, i32
  }
  func.func @transform_6(%arg0: i32, %arg1: i32) -> (i32, i32, i32) {
    %c0_i32 = arith.constant 0 : i32
    %c0_i32_0 = arith.constant 0 : i32
    return %arg0, %arg1, %c0_i32 : i32, i32, i32
  }
}

module attributes {stable_mosaic.version = 14 : i64} {
  func.func @_agg_body(%arg0: i32, %arg1: i32, %arg2: memref<1x256x8xf32, #tpu.memory_space<vmem>>, %arg3: memref<1x256x64xf32, #tpu.memory_space<vmem>>, %arg4: memref<1x8x4096xf32, #tpu.memory_space<vmem>>, %arg5: memref<1x4096x64xf32, #tpu.memory_space<vmem>>, %arg6: memref<64x64xf32, #tpu.memory_space<vmem>>, %arg7: memref<1x64xf32, #tpu.memory_space<vmem>>, %arg8: memref<1x256x64xf32, #tpu.memory_space<vmem>>, %arg9: memref<256x4096xf32, #tpu.memory_space<vmem>>) attributes {dimension_semantics = [#tpu.dimension_semantics<arbitrary>, #tpu.dimension_semantics<arbitrary>], iteration_bounds = array<i64: 4, 8>, scalar_prefetch = 0 : i64, scratch_operands = 1 : i64, tpu.core_type = #tpu.core_type<tc>, window_params = [{transform_indices = @transform_0, window_bounds = array<i64: 1, 256, 8>}, {transform_indices = @transform_1, window_bounds = array<i64: 1, 256, 64>}, {transform_indices = @transform_2, window_bounds = array<i64: 1, 8, 4096>}, {transform_indices = @transform_3, window_bounds = array<i64: 1, 4096, 64>}, {pipeline_mode = #tpu.pipeline_mode<synchronous>, transform_indices = @transform_4, window_bounds = array<i64: 64, 64>}, {pipeline_mode = #tpu.pipeline_mode<synchronous>, transform_indices = @transform_5, window_bounds = array<i64: 1, 64>}, {transform_indices = @transform_6, window_bounds = array<i64: 1, 256, 64>}]} {
    %get3A = arith.constant 0 : index
    %get3A_0 = arith.constant 0 : index
    %get3A_1 = arith.constant 0 : index
    %get3A_2 = vector.load %arg2[%get3A, %get3A_0, %get3A_1] : memref<1x256x8xf32, #tpu.memory_space<vmem>>, vector<1x256x8xf32>
    %get3A_3 = vector.shape_cast %get3A_2 : vector<1x256x8xf32> to vector<256x8xf32>
    %slice3A = vector.extract_strided_slice %get3A_3 {offsets = [0, 0], sizes = [256, 1], strides = [1, 1]} : vector<256x8xf32> to vector<256x1xf32>
    %slice3A_4 = vector.extract_strided_slice %get3A_3 {offsets = [0, 1], sizes = [256, 1], strides = [1, 1]} : vector<256x8xf32> to vector<256x1xf32>
    %slice3A_5 = vector.extract_strided_slice %get3A_3 {offsets = [0, 2], sizes = [256, 1], strides = [1, 1]} : vector<256x8xf32> to vector<256x1xf32>
    %slice3A_6 = vector.extract_strided_slice %get3A_3 {offsets = [0, 3], sizes = [256, 1], strides = [1, 1]} : vector<256x8xf32> to vector<256x1xf32>
    %get3A_7 = arith.constant 0 : index
    %get3A_8 = arith.constant 0 : index
    %get3A_9 = arith.constant 0 : index
    %get3A_10 = vector.load %arg4[%get3A_7, %get3A_8, %get3A_9] : memref<1x8x4096xf32, #tpu.memory_space<vmem>>, vector<1x1x4096xf32>
    %get3A_11 = vector.shape_cast %get3A_10 : vector<1x1x4096xf32> to vector<1x4096xf32>
    %get3A_12 = arith.constant 0 : index
    %get3A_13 = arith.constant 1 : index
    %get3A_14 = arith.constant 0 : index
    %get3A_15 = vector.load %arg4[%get3A_12, %get3A_13, %get3A_14] : memref<1x8x4096xf32, #tpu.memory_space<vmem>>, vector<1x1x4096xf32>
    %get3A_16 = vector.shape_cast %get3A_15 : vector<1x1x4096xf32> to vector<1x4096xf32>
    %get3A_17 = arith.constant 0 : index
    %get3A_18 = arith.constant 2 : index
    %get3A_19 = arith.constant 0 : index
    %get3A_20 = vector.load %arg4[%get3A_17, %get3A_18, %get3A_19] : memref<1x8x4096xf32, #tpu.memory_space<vmem>>, vector<1x1x4096xf32>
    %get3A_21 = vector.shape_cast %get3A_20 : vector<1x1x4096xf32> to vector<1x4096xf32>
    %sub3A = vector.broadcast %slice3A : vector<256x1xf32> to vector<256x4096xf32>
    %sub3A_22 = vector.broadcast %get3A_11 : vector<1x4096xf32> to vector<256x4096xf32>
    %sub3A_23 = arith.subf %sub3A, %sub3A_22 : vector<256x4096xf32>
    %sub3A_24 = vector.broadcast %slice3A_4 : vector<256x1xf32> to vector<256x4096xf32>
    %sub3A_25 = vector.broadcast %get3A_16 : vector<1x4096xf32> to vector<256x4096xf32>
    %sub3A_26 = arith.subf %sub3A_24, %sub3A_25 : vector<256x4096xf32>
    %sub3A_27 = vector.broadcast %slice3A_5 : vector<256x1xf32> to vector<256x4096xf32>
    %sub3A_28 = vector.broadcast %get3A_21 : vector<1x4096xf32> to vector<256x4096xf32>
    %sub3A_29 = arith.subf %sub3A_27, %sub3A_28 : vector<256x4096xf32>
    %mul3A = arith.mulf %sub3A_23, %sub3A_23 : vector<256x4096xf32>
    %mul3A_30 = arith.mulf %sub3A_26, %sub3A_26 : vector<256x4096xf32>
    %add3A = arith.addf %mul3A, %mul3A_30 : vector<256x4096xf32>
    %mul3A_31 = arith.mulf %sub3A_29, %sub3A_29 : vector<256x4096xf32>
    %add3A_32 = arith.addf %add3A, %mul3A_31 : vector<256x4096xf32>
    %swap3A = arith.constant 0 : index
    %swap3A_33 = arith.constant 0 : index
    %swap3A_34 = vector.load %arg9[%swap3A, %swap3A_33] : memref<256x4096xf32, #tpu.memory_space<vmem>>, vector<256x4096xf32>
    tpu.vector_store %arg9[%swap3A, %swap3A_33], %add3A_32 {strides = array<i32>} : memref<256x4096xf32, #tpu.memory_space<vmem>>, vector<256x4096xf32>,
    %get3A_35 = arith.constant 0 : index
    %get3A_36 = arith.constant 0 : index
    %get3A_37 = arith.constant 0 : index
    %get3A_38 = vector.load %arg3[%get3A_35, %get3A_36, %get3A_37] : memref<1x256x64xf32, #tpu.memory_space<vmem>>, vector<1x256x64xf32>
    %get3A_39 = vector.shape_cast %get3A_38 : vector<1x256x64xf32> to vector<256x64xf32>
    %iota3A = tpu.iota {dimensions = array<i32: 1>} : vector<1x4096xi32>
    %broadcast_in_dim3A = arith.constant -1.000000e+09 : f32
    %broadcast_in_dim3A_40 = vector.broadcast %broadcast_in_dim3A : f32 to vector<256x64xf32>
    %while3A = arith.constant 0 : i32
    %while3A_41 = arith.constant true
    %while3A_42:3 = scf.while (%while3A_64 = %while3A, %while3A_65 = %broadcast_in_dim3A_40, %while3A_66 = %while3A_41) : (i32, vector<256x64xf32>, i1) -> (i32, vector<256x64xf32>, i1) {
      %lt3A = arith.constant 32 : i32
      %lt3A_67 = arith.cmpi slt, %while3A_64, %lt3A : i32
      %and3A = arith.andi %lt3A_67, %while3A_66 : i1
      scf.condition(%and3A) %while3A_64, %while3A_65, %while3A_66 : i32, vector<256x64xf32>, i1
    } do {
    ^bb0(%while3A_64: i32, %while3A_65: vector<256x64xf32>, %while3A_66: i1):
      %get3A_67 = arith.constant 0 : index
      %get3A_68 = arith.constant 0 : index
      %get3A_69 = vector.load %arg9[%get3A_67, %get3A_68] : memref<256x4096xf32, #tpu.memory_space<vmem>>, vector<256x4096xf32>
      %reduce_min3A = arith.constant dense<0x7F800000> : vector<256xf32>
      %reduce_min3A_70 = vector.multi_reduction <minimumf>, %get3A_69, %reduce_min3A [1] : vector<256x4096xf32> to vector<256xf32>
      %broadcast_in_dim3A_71 = vector.shape_cast %reduce_min3A_70 : vector<256xf32> to vector<256x1xf32>
      %le3A = arith.cmpf ole, %broadcast_in_dim3A_71, %slice3A_6 : vector<256x1xf32>
      %eq3A = vector.broadcast %broadcast_in_dim3A_71 : vector<256x1xf32> to vector<256x4096xf32>
      %eq3A_72 = arith.cmpf oeq, %get3A_69, %eq3A : vector<256x4096xf32>
      %jit3A = arith.constant 4096 : i32
      %broadcast_in_dim3A_73 = vector.shape_cast %iota3A : vector<1x4096xi32> to vector<1x4096xi32>
      %broadcast_in_dim3A_74 = vector.broadcast %broadcast_in_dim3A_73 : vector<1x4096xi32> to vector<256x4096xi32>
      %broadcast_in_dim3A_75 = vector.broadcast %jit3A : i32 to vector<256x4096xi32>
      %select_n3A = arith.select %eq3A_72, %broadcast_in_dim3A_74, %broadcast_in_dim3A_75 : vector<256x4096xi1>, vector<256x4096xi32>
      %reduce_min3A_76 = arith.constant dense<2147483647> : vector<256xi32>
      %reduce_min3A_77 = vector.multi_reduction <minsi>, %select_n3A, %reduce_min3A_76 [1] : vector<256x4096xi32> to vector<256xi32>
      %broadcast_in_dim3A_78 = vector.shape_cast %reduce_min3A_77 : vector<256xi32> to vector<256x1xi32>
      %eq3A_79 = vector.broadcast %iota3A : vector<1x4096xi32> to vector<256x4096xi32>
      %eq3A_80 = vector.broadcast %broadcast_in_dim3A_78 : vector<256x1xi32> to vector<256x4096xi32>
      %eq3A_81 = arith.cmpi eq, %eq3A_79, %eq3A_80 : vector<256x4096xi32>
      %convert_element_type3A = arith.extui %eq3A_81 : vector<256x4096xi1> to vector<256x4096xi32>
      %convert_element_type3A_82 = arith.sitofp %convert_element_type3A : vector<256x4096xi32> to vector<256x4096xf32>
      %get3A_83 = arith.constant 0 : index
      %get3A_84 = arith.constant 0 : index
      %get3A_85 = arith.constant 0 : index
      %get3A_86 = vector.load %arg5[%get3A_83, %get3A_84, %get3A_85] : memref<1x4096x64xf32, #tpu.memory_space<vmem>>, vector<1x4096x64xf32>
      %get3A_87 = vector.shape_cast %get3A_86 : vector<1x4096x64xf32> to vector<4096x64xf32>
      %dot_general3A_88 = arith.constant dense<0.000000e+00> : vector<256x64xf32>
      %dot_general3A_89 = tpu.matmul %convert_element_type3A_82, %get3A_87, %dot_general3A_88 {dimension_numbers = #tpu.dot_dimension_numbers<[1], [0], [0], [1], [0, 0, 1, 1], [], []>, transpose_lhs_hint = false} : vector<256x4096xf32>, vector<4096x64xf32>, vector<256x64xf32> -> vector<256x64xf32>
      %sub3A_90 = arith.subf %dot_general3A_89, %get3A_39 : vector<256x64xf32>
      %max3A = arith.constant 0.000000e+00 : f32
      %max3A_91 = vector.broadcast %max3A : f32 to vector<256x64xf32>
      %max3A_92 = arith.maximumf %sub3A_90, %max3A_91 : vector<256x64xf32>
      %jit3A_93 = arith.constant -1.000000e+09 : f32
      %broadcast_in_dim3A_94 = vector.shape_cast %le3A : vector<256x1xi1> to vector<256x1xi1>
      %broadcast_in_dim3A_95 = vector.broadcast %broadcast_in_dim3A_94 : vector<256x1xi1> to vector<256x64xi1>
      %broadcast_in_dim3A_96 = vector.broadcast %jit3A_93 : f32 to vector<256x64xf32>
      %select_n3A_97 = arith.select %broadcast_in_dim3A_95, %max3A_92, %broadcast_in_dim3A_96 : vector<256x64xi1>, vector<256x64xf32>
      %max3A_98 = arith.maximumf %while3A_65, %select_n3A_97 : vector<256x64xf32>
      %jit3A_99 = arith.constant 1.000000e+30 : f32
      %broadcast_in_dim3A_100 = vector.broadcast %jit3A_99 : f32 to vector<256x4096xf32>
      %select_n3A_101 = arith.select %eq3A_81, %broadcast_in_dim3A_100, %get3A_69 : vector<256x4096xi1>, vector<256x4096xf32>
      %swap3A_102 = arith.constant 0 : index
      %swap3A_103 = arith.constant 0 : index
      %swap3A_104 = vector.load %arg9[%swap3A_102, %swap3A_103] : memref<256x4096xf32, #tpu.memory_space<vmem>>, vector<256x4096xf32>
      tpu.vector_store %arg9[%swap3A_102, %swap3A_103], %select_n3A_101 {strides = array<i32>} : memref<256x4096xf32, #tpu.memory_space<vmem>>, vector<256x4096xf32>,
      %add3A_105 = arith.constant 1 : i32
      %add3A_106 = arith.addi %while3A_64, %add3A_105 : i32
      %reduce_or3A = arith.constant 1.000000e+00 : f32
      %reduce_or3A_107 = arith.constant 0.000000e+00 : f32
      %reduce_or3A_108 = vector.broadcast %reduce_or3A : f32 to vector<256x1xf32>
      %reduce_or3A_109 = vector.broadcast %reduce_or3A_107 : f32 to vector<256x1xf32>
      %reduce_or3A_110 = arith.select %le3A, %reduce_or3A_108, %reduce_or3A_109 : vector<256x1xi1>, vector<256x1xf32>
      %reduce_or3A_111 = vector.shape_cast %reduce_or3A_110 : vector<256x1xf32> to vector<1x256x1xf32>
      %reduce_or3A_112 = arith.constant dense<0xFF800000> : vector<1xf32>
      %reduce_or3A_113 = vector.multi_reduction <maximumf>, %reduce_or3A_111, %reduce_or3A_112 [1, 2] : vector<1x256x1xf32> to vector<1xf32>
      %reduce_or3A_114 = vector.shape_cast %reduce_or3A_113 : vector<1xf32> to vector<1x1x1xf32>
      %reduce_or3A_115 = vector.extract %reduce_or3A_114[0, 0, 0] : f32 from vector<1x1x1xf32>
      %reduce_or3A_116 = arith.constant 0.000000e+00 : f32
      %reduce_or3A_117 = arith.cmpf ogt, %reduce_or3A_115, %reduce_or3A_116 : f32
      scf.yield %add3A_106, %max3A_98, %reduce_or3A_117 : i32, vector<256x64xf32>, i1
    }
    %get3A_43 = arith.constant 0 : index
    %get3A_44 = arith.constant 0 : index
    %get3A_45 = vector.load %arg6[%get3A_43, %get3A_44] : memref<64x64xf32, #tpu.memory_space<vmem>>, vector<64x64xf32>
    %dot_general3A = arith.constant dense<0.000000e+00> : vector<256x64xf32>
    %dot_general3A_46 = tpu.matmul %while3A_42#1, %get3A_45, %dot_general3A {dimension_numbers = #tpu.dot_dimension_numbers<[1], [0], [0], [1], [0, 0, 1, 1], [], []>, transpose_lhs_hint = false} : vector<256x64xf32>, vector<64x64xf32>, vector<256x64xf32> -> vector<256x64xf32>
    %get3A_47 = arith.constant 0 : index
    %get3A_48 = arith.constant 0 : index
    %get3A_49 = vector.load %arg7[%get3A_47, %get3A_48] : memref<1x64xf32, #tpu.memory_space<vmem>>, vector<1x64xf32>
    %add3A_50 = vector.broadcast %get3A_49 : vector<1x64xf32> to vector<256x64xf32>
    %add3A_51 = arith.addf %dot_general3A_46, %add3A_50 : vector<256x64xf32>
    %logistic3A = arith.negf %add3A_51 : vector<256x64xf32>
    %logistic3A_52 = math.exp %logistic3A : vector<256x64xf32>
    %logistic3A_53 = arith.constant 1.000000e+00 : f32
    %logistic3A_54 = vector.broadcast %logistic3A_53 : f32 to vector<256x64xf32>
    %logistic3A_55 = arith.addf %logistic3A_54, %logistic3A_52 : vector<256x64xf32>
    %logistic3A_56 = arith.divf %logistic3A_54, %logistic3A_55 : vector<256x64xf32>
    %mul3A_57 = arith.mulf %while3A_42#1, %logistic3A_56 : vector<256x64xf32>
    %swap3A_58 = arith.constant 0 : index
    %swap3A_59 = arith.constant 0 : index
    %swap3A_60 = arith.constant 0 : index
    %swap3A_61 = vector.load %arg8[%swap3A_58, %swap3A_59, %swap3A_60] : memref<1x256x64xf32, #tpu.memory_space<vmem>>, vector<1x256x64xf32>
    %swap3A_62 = vector.shape_cast %swap3A_61 : vector<1x256x64xf32> to vector<256x64xf32>
    %swap3A_63 = vector.shape_cast %mul3A_57 : vector<256x64xf32> to vector<1x256x64xf32>
    tpu.vector_store %arg8[%swap3A_58, %swap3A_59, %swap3A_60], %swap3A_63 {strides = array<i32>} : memref<1x256x64xf32, #tpu.memory_space<vmem>>, vector<1x256x64xf32>,
    return
  }
  func.func @transform_0(%arg0: i32, %arg1: i32) -> (i32, i32, i32) {
    %c0_i32 = arith.constant 0 : i32
    %c0_i32_0 = arith.constant 0 : i32
    return %arg0, %arg1, %c0_i32 : i32, i32, i32
  }
  func.func @transform_1(%arg0: i32, %arg1: i32) -> (i32, i32, i32) {
    %c0_i32 = arith.constant 0 : i32
    %c0_i32_0 = arith.constant 0 : i32
    return %arg0, %arg1, %c0_i32 : i32, i32, i32
  }
  func.func @transform_2(%arg0: i32, %arg1: i32) -> (i32, i32, i32) {
    %c0_i32 = arith.constant 0 : i32
    %c0_i32_0 = arith.constant 0 : i32
    %c0_i32_1 = arith.constant 0 : i32
    return %arg0, %c0_i32, %c0_i32_0 : i32, i32, i32
  }
  func.func @transform_3(%arg0: i32, %arg1: i32) -> (i32, i32, i32) {
    %c0_i32 = arith.constant 0 : i32
    %c0_i32_0 = arith.constant 0 : i32
    %c0_i32_1 = arith.constant 0 : i32
    return %arg0, %c0_i32, %c0_i32_0 : i32, i32, i32
  }
  func.func @transform_4(%arg0: i32, %arg1: i32) -> (i32, i32) {
    %c0_i32 = arith.constant 0 : i32
    %c0_i32_0 = arith.constant 0 : i32
    %c0_i32_1 = arith.constant 0 : i32
    return %c0_i32, %c0_i32_0 : i32, i32
  }
  func.func @transform_5(%arg0: i32, %arg1: i32) -> (i32, i32) {
    %c0_i32 = arith.constant 0 : i32
    %c0_i32_0 = arith.constant 0 : i32
    %c0_i32_1 = arith.constant 0 : i32
    return %c0_i32, %c0_i32_0 : i32, i32
  }
  func.func @transform_6(%arg0: i32, %arg1: i32) -> (i32, i32, i32) {
    %c0_i32 = arith.constant 0 : i32
    %c0_i32_0 = arith.constant 0 : i32
    return %arg0, %arg1, %c0_i32 : i32, i32, i32
  }
}

</mosaic_0001>

<sc_bundles>
// kernel: gather_offload_async_start.1
scs
__scs_entry_jumppad:
0x0: {  	(pc) =	sbr.rel $0x88, $3  }
0x1: {  	(tag) =	ssettag $0x0;
	lr =	simm.s32 $0x1  }
0x2: {  	[smem:$0x3F81] =	sst lr;
	_ =	strace $0xD0000000  }
0x3: {  	_ = 	snop  }
0x4: {  	_ = 	snop  }
0x5: {  	_ = 	snop  }
0x6: {  	_ = 	snop  }
0x7: {  	_ = 	snop  }
__scs_overlays_trampoline_lowered:
0x8: {  	[smem:$0x3F90] =	sst s0  }
0x9: {  	[smem:$0x3F91] =	sst s1  }
0xa: {  	[smem:$0x3F92] =	sst s2  }
0xb: {  	[smem:$0x3F93] =	sst s3  }
0xc: {  	[smem:$0x3F94] =	sst s4  }
0xd: {  	[smem:$0x3F95] =	sst s5  }
0xe: {  	[smem:$0x3F96] =	sst s6  }
0xf: {  	[smem:$0x3F97] =	sst s7  }
0x10: {  	[smem:$0x3F98] =	sst s8  }
0x11: {  	[smem:$0x3F99] =	sst s9;
	s0 =	simm.s32 @!p0 $0x0  }
0x12: {  	s1 =	sld [smem:$0x3F7F];
	s0 =	simm.s32 @p0 $0x1  }
0x13: {  	[smem:$0x3F9A] =	sst s0;
	s0 =	simm.s32 @!p1 $0x0  }
0x14: {  	s2 =	sld [smem:$0x3F7E];
	s0 =	simm.s32 @p1 $0x1  }
0x15: {  	[smem:$0x3F9B] =	sst s0;
	s0 =	simm.s32 @!p2 $0x0  }
0x16: {  	s3 =	sld [smem:$0x3FDB];
	s0 =	simm.s32 @p2 $0x1  }
0x17: {  	s4 =	simm.s32 $0x1BF5;
	[smem:$0x3F9D] =	sst s0  }
0x18: {  	s0 =	sld [smem:$0x3F80];
	_ =	swait.ge [sflag:s4], $0x0  }
0x19: {  	s7 =	sld [smem:$0x3F81]  }
0x1a: {  	s8 =	sadd.s32 $0xFFFFE003, lr  }
0x1b: {  	s9 =	sadd.s32 $0xFFFFFEF7, lr;
	s5 =	simm.s32 $0xFFFFFFFF;
	p2 =	slt.u32 s8, $0xFFFFF086  }
0x1c: {  	p1 =	slt.u32 s9, $0xF7A;
	s5 =	simm.s32 @!p2 $0x0  }
0x1d: {  	s5 =	simm.s32 @p1 $0x1;
	p0 =	seq.s32 s7, s2  }
0x1e: {  	s7 =	smul.u32 @!p0 $0xF7A, s2;
	p2 =	seq.s32 @!p0 s5, $0x0  }
0x1f: {  	s9 =	smul.u32 $0xF7A, s1;
	s8 =	simm.s32 @!p0 $0x1BF5;
	p2 =	por !p2, p0  }
0x20: {  	[sflag:s8] =	ssyncset.s32 @!p0 $0xFFFFF086;
	s6 =	sadd.s32 @!p0 s3, s7;
	s7 =	simm.s32 @!p0 $0x108  }
0x21: {  	s3 =	sadd.s32 s3, s9;
	s6 =	sadd.s32 @!p0 $0x88, s6;
	s7 =	simm.s32 @p2 $0x1082  }
0x22: {  	[simem:s7], [sflag:s8] =	dma.local @!p0 [hbm:s6], $0xF7A  }
0x23: {  	s9 =	sor.u32 $0xD0000000, s2;
	s6 =	simm.s32 $0x108;
	_ =	swait.ge @!p0 [sflag:s8], $0x0  }
0x24: {  	s3 =	sadd.s32 $0x88, s3;
	s6 =	simm.s32 @!p1 $0x1082;
	[sflag:s4] =	ssyncset.s32 $0xFFFFF086  }
0x25: {  	[simem:s6], [sflag:s4] =	dma.local [hbm:s3], $0xF7A  }
0x26: {  	[smem:$0x3F81] =	sst s1;
	(tag) =	ssettag s2;
	_ =	strace s9  }
0x27: {  	s1 =	sld [smem:$0x3F91]  }
0x28: {  	s2 =	sld [smem:$0x3F92]  }
0x29: {  	s4 =	sld [smem:$0x3F94]  }
0x2a: {  	p0 =	seq.s32 s5, $0x0;
	s5 =	sld [smem:$0x3F95]  }
0x2b: {  	s6 =	sld [smem:$0x3F96]  }
0x2c: {  	s7 =	sld [smem:$0x3F97]  }
0x2d: {  	s3 =	simm.s32 $0x108;
	s8 =	sld [smem:$0x3F98]  }
0x2e: {  	s3 =	simm.s32 @!p0 $0x1082;
	s9 =	sld [smem:$0x3F99]  }
0x2f: {  	lr =	sadd.s32 s0, s3;
	s0 =	sld [smem:$0x3F90]  }
0x30: {  	s3 =	sld [smem:$0x3F93]  }
0x31: {  	[smem:$0x3F9C] =	sst s10  }
0x32: {  	s10 =	sld [smem:$0x3F9A];
	_ =	sdelay $0x3  }
0x33: {  	p0 =	seq.s32 s10, $0x1;
	s10 =	sld [smem:$0x3F9C];
	_ =	sdelay $0x3  }
0x34: {  	[smem:$0x3F9C] =	sst s10  }
0x35: {  	s10 =	sld [smem:$0x3F9B];
	_ =	sdelay $0x3  }
0x36: {  	p1 =	seq.s32 s10, $0x1;
	s10 =	sld [smem:$0x3F9C];
	_ =	sdelay $0x3  }
0x37: {  	[smem:$0x3F9C] =	sst s10  }
0x38: {  	s10 =	sld [smem:$0x3F9D]  }
0x39: {  	_ = 	snop;
	(pc) =	sbr.ind lr, $3  }
0x3a: {  	_ = 	snop  }
0x3b: {  	_ = 	snop  }
0x3c: {  	p2 =	seq.s32 s10, $0x1;
	s10 =	sld [smem:$0x3F9C]  }
0x3d: {  	_ =	shalt  }
0x3e: {  	_ =	shalt  }
0x3f: {  	_ =	shalt  }
0x40: {  	_ =	shalt  }
0x41: {  	_ =	shalt  }
0x42: {  	_ =	shalt  }
0x43: {  	_ =	shalt  }
0x44: {  	_ =	shalt  }
0x45: {  	_ =	shalt  }
0x46: {  	_ =	shalt  }
0x47: {  	_ =	shalt  }
0x48: {  	_ =	shalt  }
0x49: {  	_ =	shalt  }
0x4a: {  	_ =	shalt  }
0x4b: {  	_ =	shalt  }
0x4c: {  	_ =	shalt  }
0x4d: {  	_ =	shalt  }
0x4e: {  	_ =	shalt  }
0x4f: {  	_ =	shalt  }
0x50: {  	_ =	shalt  }
0x51: {  	_ =	shalt  }
0x52: {  	_ =	shalt  }
0x53: {  	_ =	shalt  }
0x54: {  	_ =	shalt  }
0x55: {  	_ =	shalt  }
0x56: {  	_ =	shalt  }
0x57: {  	_ =	shalt  }
0x58: {  	_ =	shalt  }
0x59: {  	_ =	shalt  }
0x5a: {  	_ =	shalt  }
0x5b: {  	_ =	shalt  }
0x5c: {  	_ =	shalt  }
0x5d: {  	_ =	shalt  }
0x5e: {  	_ =	shalt  }
0x5f: {  	_ =	shalt  }
0x60: {  	_ =	shalt  }
0x61: {  	_ =	shalt  }
0x62: {  	_ =	shalt  }
0x63: {  	_ =	shalt  }
0x64: {  	_ =	shalt  }
0x65: {  	_ =	shalt  }
0x66: {  	_ =	shalt  }
0x67: {  	_ =	shalt  }
0x68: {  	_ =	shalt  }
0x69: {  	_ =	shalt  }
0x6a: {  	_ =	shalt  }
0x6b: {  	_ =	shalt  }
0x6c: {  	_ =	shalt  }
0x6d: {  	_ =	shalt  }
0x6e: {  	_ =	shalt  }
0x6f: {  	_ =	shalt  }
0x70: {  	_ =	shalt  }
0x71: {  	_ =	shalt  }
0x72: {  	_ =	shalt  }
0x73: {  	_ =	shalt  }
0x74: {  	_ =	shalt  }
0x75: {  	_ =	shalt  }
0x76: {  	_ =	shalt  }
0x77: {  	_ =	shalt  }
0x78: {  	_ =	shalt  }
0x79: {  	_ =	shalt  }
0x7a: {  	_ =	shalt  }
0x7b: {  	_ =	shalt  }
0x7c: {  	_ =	shalt  }
0x7d: {  	_ =	shalt  }
0x7e: {  	_ =	shalt  }
0x7f: {  	_ =	shalt  }
0x80: {  	_ =	shalt  }
0x81: {  	_ =	shalt  }
0x82: {  	_ =	shalt  }
0x83: {  	_ =	shalt  }
0x84: {  	_ =	shalt  }
0x85: {  	_ =	shalt  }
0x86: {  	_ =	shalt  }
0x87: {  	_ =	shalt  }
.Lfunc_end0:
.L_simem_size_0:
called_computation.1_lowered:
.L_overlay_start_0:
0x88: {  	s2 =	sld [smem:$0x3FD9]  }
0x89: {  	s3 =	sld [smem:$0x3FFE];
	_ =	sdelay $0x1  }
0x8a: {  	s1 =	srdreg.scid  }
0x8b: {  	s0 =	sand.u32 $0x1, s1  }
0x8c: {  	s16 =	sshll.u32 s0, $0xA;
	s2 =	sadd.s32 s3, s2  }
0x8d: {  	s2 =	sadd.s32 s2, s16  }
0x8e: {  	[smem:$0x3FA8] =	sst s2  }
0x8f: {  	_ = 	snop  }
0x90: {  	(tm) =	ssettm $0x1  }
0x91: {  	s17 =	sld [smem:$0x3FFB];
	_ =	sdelay $0x3  }
0x92: {  	_ =	strace s17  }
0x93: {  	s2 =	sld [smem:$0x3FFC];
	_ =	sdelay $0x3  }
0x94: {  	_ =	strace s2  }
0x95: {  	s2 =	sld [smem:$0x3FFD];
	_ =	sdelay $0x3  }
0x96: {  	_ =	strace s2  }
0x97: {  	_ =	strace $0x8FFFFFFF  }
0x98: {  	s18 =	sld [smem:$0x3FDB];
	_ =	sdelay $0x1  }
0x99: {  	s19 =	simm.s32 $_scs_section_size  }
0x9a: {  	s4 =	simm.s32 $_size__tile_overlayer_lowered;
	s5 =	simm.s32 $_tile_overlayer_lowered  }
0x9b: {  	s22 =	simm.s32 $0x1BFF;
	s21 =	sshll.u32 s5, $0x1;
	s2 =	sadd.s32 s19, s18  }
0x9c: {  	s6 =	simm.s32 $0x0;
	s20 =	sshll.u32 s4, $0x1;
	s4 =	sadd.s32 s21, s2  }
0x9d: {  	[timem:s6], [sflag:s22] =	dma.local [hbm:s4], s20  }
0x9e: {  	_ =	swait.ge [sflag:s22], s20  }
0x9f: {  	s3 =	ssub.s32 $0x0, s20;
	[sflag:s22] =	ssyncset.done $0x0  }
0xa0: {  	[sflag:s22] =	ssyncadd.s32 s3;
	_ =	sdelay $0x1  }
0xa1: {  	s23 =	simm.s32 $0x1B8B  }
0xa2: {  	_ =	swait.ge [sflag:s23], $0x1  }
0xa3: {  	[sflag:s23] =	ssyncset.done $0x0  }
0xa4: {  	s25 =	simm.s32 $0x1B8E;
	s24 =	sld [smem:$0x3FFE];
	[sflag:s23] =	ssyncadd.s32 $0xFFFFFFFF  }
0xa5: {  	s26 =	simm.s32 $execute0_lowered;
	[smem:$0x3FD2] =	sst s25  }
0xa6: {  	s4 =	sshll.u32 s26, $0x1;
	_ =	strace $0x80000046;
	[dreg:$0x1] =	wrdreg $0xFFFFFFFF  }
0xa7: {  	s28 =	simm.s32 $_size_execute0_lowered;
	s2 =	sadd.s32 s2, s4;
	[dreg:$0x0] =	wrdreg $0x0  }
0xa8: {  	s4 =	sshll.u32 s28, $0x1;
	[dreg:$0x2] =	wrdreg s2  }
0xa9: {  	[dreg:$0x3] =	wrdreg s4  }
0xaa: {  	[dreg:$0x4] =	wrdreg $0xC0  }
0xab: {  	_ =	task [dreg:s6], $0x5FFFF  }
0xac: {  	[dreg:$0x1] =	wrdreg $0xFFFFFFFF  }
0xad: {  	[dreg:$0x0] =	wrdreg $0x60  }
0xae: {  	[dreg:$0x2] =	wrdreg s24  }
0xaf: {  	[dreg:$0x3] =	wrdreg $0x9  }
0xb0: {  	_ =	task.clear_ibuf [dreg:s6], $0x4FFFF;
	_ =	strace $0x90000046  }
0xb1: {  	s29 =	simm.s32 $0x9;
	_ =	strace $0x80000048  }
0xb2: {  	_ =	swait.ge [sflag:s29], $0x1  }
0xb3: {  	[sflag:s29] =	ssyncadd.s32 $0xFFFFFFFF  }
0xb4: {  	_ =	strace $0x90000048  }
0xb5: {  	_ =	sfence  }
0xb6: {  	s30 =	sld [smem:$0x0];
	_ =	sdelay $0x2  }
0xb7: {  	s31 =	sshll.u32 s1, $0xD;
	s1 =	sshrl.u32 s1, $0x2  }
0xb8: {  	s3 =	sand.u32 $0x4000, s31;
	s1 =	sadd.s32 s1, s30  }
0xb9: {  	s0 =	sor.u32 s3, s0;
	s1 =	sshll.u32 s1, $0x11  }
0xba: {  	s0 =	sor.u32 s1, s0  }
0xbb: {  	s0 =	sadd.s32 $0x8F2B, s0  }
0xbc: {  	[sflag:s0] =	ssyncadd.remote.s32 $0x1  }
0xbd: {  	_ =	sfence.sel $0xFFFF  }
0xbe: {  	[dreg:$0x0] =	wrdreg $0xFFFFFFFF;
	(pc) =	sbr.abs _section_cstart, $3  }
0xbf: {  	[dreg:$0x1] =	wrdreg $0xFFFFFFFF  }
0xc0: {  	_ =	task.clear_ibuf [dreg:s6], $0x2FFFF;
	_ =	strace $0x9FFFFFFF  }
0xc1: {  	(tm) =	ssettm $0x7FFFFFFF  }
tec
execute0_lowered:
.L_overlay_start_1:
0x0: {  	(tag) =	ssettag $0x1  }
0x1: {  	s7 =	rddreg [dreg:$0x0]  }
0x2: {  	s0 =	rddreg [dreg:$0x1];
	_ =	strace $0x80000047  }
0x3: {  	s1 =	srdreg.scid;
	s4 =	simm.s32 $0x1;
	s9 =	simm.s32 $0x3  }
0x4: {  	s12 =	simm.s32 $0x0;
	s10 =	simm.s32 $0x0;
	s5 =	sshll.u32 s1, $0x4  }
.Ltmp0:
0x5: {  	s1 =	stileid.u32;
	s5 =	sand.u32 $0x10, s5;
	(pc) =	sbr.rel .LBB2_1-.Ltmp0, $4  }
0x6: {  	s2 =	sadd.s32 $0x2800, s7;
	s3 =	sadd.s32 $0x2400, s7;
	s6 =	sor.u32 s1, s5  }
0x7: {  	[sflag:s4] =	ssyncpa.u1 $0x0;
	s5 =	simm.s32 $0x2;
	s6 =	sshll.u32 s6, $0x7  }
0x8: {  	s7 =	sadd.s32 $0x42800, s7;
	[sflag:s5] =	ssyncpa.u1 $0x0;
	s8 =	sadd.s32 $0x80, s6  }
0x9: {  	vm0 =	vmmov $0xff;
	vm1 =	vcmask $0x3F20;
	[sflag:s9] =	ssyncpa.u1 $0x0;
	s9 =	simm.s32 $0x80;
	s11 =	smov.u32 s6  }
.LBB2_9:
0xa: {  	p0 =	seq.s32 s10, $0x2  }
.Ltmp1:
0xb: {  	_ = 	snop;
	(pc) =	sbr.rel @p0 .LBB2_11-.Ltmp1, $1  }
0xc: {  	_ =	sdelay $0x3  }
.LBB2_10:
0xd: {  	s12 =	sadd.s32 $0x80, s11  }
0xe: {  	s13 =	smov.u32 s6;
	p0 =	slt.s32 s12, s8  }
0xf: {  	s13 =	smov.u32 @p0 s12  }
0x10: {  	s10 =	sadd.s32 $0x1, s10;
	s12 =	smov.u32 s11;
	s11 =	smov.u32 s13  }
.LBB2_1:
0x11: {  	p0 =	sne.s32 s10, $0x0  }
.Ltmp2:
0x12: {  	_ = 	snop;
	(pc) =	sbr.rel @!p0 .LBB2_2-.Ltmp2, $1  }
0x13: {  	_ =	sdelay $0x3  }
0x14: {  	s13 =	sand.u32 $0x1, s10  }
0x15: {  	p0 =	seq.s32 s13, $0x0  }
.Ltmp3:
0x16: {  	_ = 	snop;
	(pc) =	sbr.rel @p0 .LBB2_9-.Ltmp3, $1  }
0x17: {  	_ =	sdelay $0x3  }
0x18: {  	_ =	swait.ge [sflag:s5], $0x80  }
0x19: {  	[sflag:s5] =	ssyncset.done $0x0  }
0x1a: {  	s13 =	simm.s32 $0x0;
	[sflag:s5] =	ssyncadd.s32 $0xFFFFFF80  }
0x1b: {  	v0 =	vld.msk [tilespmem:s13+$0x80 ss:$0x1], $0xffff;
	_ =	sdelay $0x4  }
0x1c: {  	v1 =	vshll.u32 v0, $0x5  }
0x1d: {  	vm2 =	veq.s32 v0, $0x80000000;
	v0 =	vshll.u32 v0, $0x13;
	v1 =	vand.u32 $0x7FF80, v1  }
0x1e: {  	v0 =	vand.u32 $0x180000, v0;
	v1 =	vsel vm2, $0xFFFFFF80, v1  }
0x1f: {  	v0 =	vsel vm2, $0xFFF80000, v0;
	v2 =	vand.u32 $0xFFFFFC00, v1  }
0x20: {  	v1 =	vand.u32 $0x380, v1;
	v0 =	vadd.s32 v0, v2  }
0x21: {  	v0 =	vor.u32 v1, v0  }
0x22: {  	v0 =	vshrl.u32 v0, $0x3;
	_ =	sdelay $0x3  }
0x23: {  	s13 =	simm.s32 $0x4100  }
0x24: {  	[tilespmem:s13], [sflag:$0x1] =	stream.indirect_vreg.gather [hbm:s2], $0x80, v0, vm0, $0x38;
	[tilespmem:$0x8100] =	vst v63  }
0x25: {  	s14 =	simm.s32 $0x4500;
	s31 =	simm.s32 $0x10  }
0x26: {  	[tilespmem:s14], [sflag:$0x1] =	stream.indirect_vreg.gather [hbm:s2], $0x80, v0, vm1, $0x38;
	[tilespmem:$0x8100] =	vst v63  }
0x27: {  	s14 =	simm.s32 $0x80;
	v0 =	vld.msk [tilespmem:s31+$0x80 ss:$0x1], $0xffff  }
.LBB2_5:
0x28: {  	p0 =	sne.s32 s14, $0x1C0;
	_ =	sdelay $0x4  }
0x29: {  	v1 =	vshll.u32 v0, $0x5  }
0x2a: {  	vm2 =	veq.s32 v0, $0x80000000;
	v0 =	vshll.u32 v0, $0x13;
	v1 =	vand.u32 $0x7FF80, v1  }
0x2b: {  	v0 =	vand.u32 $0x180000, v0;
	v1 =	vsel vm2, $0xFFFFFF80, v1  }
0x2c: {  	v0 =	vsel vm2, $0xFFF80000, v0;
	v2 =	vand.u32 $0xFFFFFC00, v1  }
0x2d: {  	v1 =	vand.u32 $0x380, v1;
	v0 =	vadd.s32 v0, v2  }
0x2e: {  	v0 =	vor.u32 v1, v0  }
0x2f: {  	v0 =	vshrl.u32 v0, $0x3;
	_ =	sdelay $0x3  }
.Ltmp4:
0x30: {  	s13 =	sadd.s32 $0x800, s13;
	(pc) =	sbr.rel @p0 .LBB2_5-.Ltmp4, $4  }
0x31: {  	[tilespmem:s13], [sflag:$0x1] =	stream.indirect_vreg.gather [hbm:s2], $0x80, v0, vm0, $0x38;
	[tilespmem:$0x8100] =	vst v63  }
0x32: {  	s15 =	sshra.s32 s14, $0x2;
	s16 =	sadd.s32 $0x400, s13  }
0x33: {  	[tilespmem:s16], [sflag:$0x1] =	stream.indirect_vreg.gather [hbm:s2], $0x80, v0, vm1, $0x38;
	[tilespmem:$0x8100] =	vst v63  }
0x34: {  	s14 =	sadd.s32 $0x40, s14;
	v0 =	vld.msk [tilespmem:s15+$0x80 ss:$0x1], $0xffff  }
0x35: {  	_ =	sdelay $0x3  }
0x36: {  	v1 =	vshll.u32 v0, $0x5  }
0x37: {  	vm2 =	veq.s32 v0, $0x80000000;
	v63 =	vshll.u32 v0, $0x13;
	v1 =	vand.u32 $0x7FF80, v1  }
0x38: {  	v0 =	vand.u32 $0x180000, v63;
	v1 =	vsel vm2, $0xFFFFFF80, v1  }
0x39: {  	v0 =	vsel vm2, $0xFFF80000, v0;
	v2 =	vand.u32 $0xFFFFFC00, v1  }
0x3a: {  	v1 =	vand.u32 $0x380, v1;
	v0 =	vadd.s32 v0, v2  }
0x3b: {  	v0 =	vor.u32 v1, v0  }
0x3c: {  	v0 =	vshrl.u32 v0, $0x3;
	_ =	sdelay $0x3  }
0x3d: {  	s13 =	sadd.s32 $0x800, s13  }
0x3e: {  	[tilespmem:s13], [sflag:$0x1] =	stream.indirect_vreg.gather [hbm:s2], $0x80, v0, vm0, $0x38;
	[tilespmem:$0x8100] =	vst v63  }
0x3f: {  	s13 =	sadd.s32 $0x400, s13  }
0x40: {  	[tilespmem:s13], [sflag:$0x1] =	stream.indirect_vreg.gather [hbm:s2], $0x80, v0, vm1, $0x38;
	[tilespmem:$0x8100] =	vst v63  }
0x41: {  	s12 =	sshll.u32 s12, $0x4;
	s14 =	simm.s32 $0x80;
	_ =	swait.ge [sflag:s4], $0x4000  }
0x42: {  	s15 =	simm.s32 $0x4500;
	s12 =	sadd.s32 s12, s7;
	[sflag:s4] =	ssyncset.done $0x0  }
0x43: {  	s16 =	sadd.s32 $0x0, s12;
	s13 =	simm.s32 $0x4100;
	[sflag:s4] =	ssyncadd.s32 $0xFFFFC000  }
.LBB2_7:
0x44: {  	[hbm:s16] =	stream.linear.scatter [tilespmem:s13], [sflag:$0x3], $0x400, $0x38;
	[tilespmem:$0x8100] =	vst v63  }
0x45: {  	s16 =	smov.u32 s14;
	s13 =	smov.u32 s15;
	p0 =	sne.s32 s14, $0x780  }
.Ltmp5:
0x46: {  	s14 =	sadd.s32 $0x80, s14;
	(pc) =	sbr.rel @p0 .LBB2_7-.Ltmp5, $2  }
0x47: {  	_ =	sdelay $0x2  }
0x48: {  	s15 =	sadd.s32 $0x400, s15;
	s16 =	sadd.s32 s16, s12  }
.Ltmp6:
0x49: {  	(pc) =	sbr.rel .LBB2_9-.Ltmp6, $2  }
0x4a: {  	_ =	sdelay $0x2  }
0x4b: {  	[hbm:s16] =	stream.linear.scatter [tilespmem:s13], [sflag:$0x3], $0x400, $0x38;
	[tilespmem:$0x8100] =	vst v63  }
.LBB2_2:
.Ltmp7:
0x4c: {  	(pc) =	sbr.rel .LBB2_10-.Ltmp7, $4  }
0x4d: {  	_ = 	snop  }
0x4e: {  	s12 =	sshrl.u32 s11, $0x3  }
0x4f: {  	s13 =	sand.u32 $0x7, s11;
	s12 =	sadd.s32 s3, s12  }
0x50: {  	[tilespmem:s9], [sflag:$0x2] =	stream.linear.gather [hbm4b:s12+s13], $0x80, $0x38;
	[tilespmem:$0x8100] =	vst v63  }
.LBB2_11:
0x51: {  	s2 =	simm.s32 $0x3  }
0x52: {  	_ =	swait.ge [sflag:s2], $0x4000  }
0x53: {  	[sflag:s2] =	ssyncset.done $0x0  }
0x54: {  	[sflag:s2] =	ssyncadd.s32 $0xFFFFC000  }
0x55: {  	_ =	sfence.sel $0x180000  }
0x56: {  	s3 =	simm.s32 $0x2;
	[bflag:$0x0] =	sbarrier.arrive $0xFFFF  }
0x57: {  	[sflag:s3] =	ssyncpa.u1 $0x1  }
0x58: {  	s31 =	simm.s32 $0x1;
	[sflag:s2] =	ssyncpa.u1 $0x1  }
0x59: {  	[sflag:s31] =	ssyncpa.u1 $0x1  }
0x5a: {  	p0 =	sne.s32 s1, $0x0;
	_ =	strace $0x90000047  }
0x5b: {  	s0 =	sadd.s32 @!p0 $0x100000, s0;
	[bflag:$0x2] =	sbarrier.arrive $0xFFFF  }
0x5c: {  	[sflag:s0] =	ssyncadd.tile.s32 @!p0 $0x1;
	_ =	shalt  }
.Lfunc_end2:
_tile_overlayer_lowered:
.L_overlay_start_2:
0x5d: {  	(tag) =	ssettag $0x2  }
0x5e: {  	s0 =	rddreg [dreg:$0x0];
	s2 =	stileid.u32  }
0x5f: {  	s1 =	rddreg [dreg:$0x1];
	p0 =	sne.s32 s2, $0x0  }
0x60: {  	s3 =	rddreg [dreg:$0x2];
	[bflag:$0x3] =	sbarrier.arrive $0xFFFF;
	s2 =	simm.s32 @!p0 $0x1C01  }
0x61: {  	[timem:s3], [sflag:s2] =	dma.local @!p0 [hbm:s0], s1  }
0x62: {  	s0 =	simm.s32 @!p0 $0x1  }
0x63: {  	_ =	swait.ge @!p0 [sflag:s0], s1  }
0x64: {  	s1 =	ssub.s32 @!p0 $0x0, s1;
	[sflag:s0] =	ssyncset.done @!p0 $0x0  }
0x65: {  	[sflag:s0] =	ssyncadd.s32 @!p0 s1  }
0x66: {  	[bflag:$0x3] =	sbarrier.arrive $0xFFFF  }
0x67: {  	_ =	shalt  }

// kernel: gather_offload_async_start
scs
__scs_entry_jumppad:
0x0: {  	(pc) =	sbr.rel $0x88, $3  }
0x1: {  	(tag) =	ssettag $0x0;
	lr =	simm.s32 $0x1  }
0x2: {  	[smem:$0x3F81] =	sst lr;
	_ =	strace $0xD0000000  }
0x3: {  	_ = 	snop  }
0x4: {  	_ = 	snop  }
0x5: {  	_ = 	snop  }
0x6: {  	_ = 	snop  }
0x7: {  	_ = 	snop  }
__scs_overlays_trampoline_lowered:
0x8: {  	[smem:$0x3F90] =	sst s0  }
0x9: {  	[smem:$0x3F91] =	sst s1  }
0xa: {  	[smem:$0x3F92] =	sst s2  }
0xb: {  	[smem:$0x3F93] =	sst s3  }
0xc: {  	[smem:$0x3F94] =	sst s4  }
0xd: {  	[smem:$0x3F95] =	sst s5  }
0xe: {  	[smem:$0x3F96] =	sst s6  }
0xf: {  	[smem:$0x3F97] =	sst s7  }
0x10: {  	[smem:$0x3F98] =	sst s8  }
0x11: {  	[smem:$0x3F99] =	sst s9;
	s0 =	simm.s32 @!p0 $0x0  }
0x12: {  	s1 =	sld [smem:$0x3F7F];
	s0 =	simm.s32 @p0 $0x1  }
0x13: {  	[smem:$0x3F9A] =	sst s0;
	s0 =	simm.s32 @!p1 $0x0  }
0x14: {  	s2 =	sld [smem:$0x3F7E];
	s0 =	simm.s32 @p1 $0x1  }
0x15: {  	[smem:$0x3F9B] =	sst s0;
	s0 =	simm.s32 @!p2 $0x0  }
0x16: {  	s3 =	sld [smem:$0x3FDB];
	s0 =	simm.s32 @p2 $0x1  }
0x17: {  	s4 =	simm.s32 $0x1BF5;
	[smem:$0x3F9D] =	sst s0  }
0x18: {  	s0 =	sld [smem:$0x3F80];
	_ =	swait.ge [sflag:s4], $0x0  }
0x19: {  	s7 =	sld [smem:$0x3F81]  }
0x1a: {  	s8 =	sadd.s32 $0xFFFFE003, lr  }
0x1b: {  	s9 =	sadd.s32 $0xFFFFFEF7, lr;
	s5 =	simm.s32 $0xFFFFFFFF;
	p2 =	slt.u32 s8, $0xFFFFF086  }
0x1c: {  	p1 =	slt.u32 s9, $0xF7A;
	s5 =	simm.s32 @!p2 $0x0  }
0x1d: {  	s5 =	simm.s32 @p1 $0x1;
	p0 =	seq.s32 s7, s2  }
0x1e: {  	s7 =	smul.u32 @!p0 $0xF7A, s2;
	p2 =	seq.s32 @!p0 s5, $0x0  }
0x1f: {  	s9 =	smul.u32 $0xF7A, s1;
	s8 =	simm.s32 @!p0 $0x1BF5;
	p2 =	por !p2, p0  }
0x20: {  	[sflag:s8] =	ssyncset.s32 @!p0 $0xFFFFF086;
	s6 =	sadd.s32 @!p0 s3, s7;
	s7 =	simm.s32 @!p0 $0x108  }
0x21: {  	s3 =	sadd.s32 s3, s9;
	s6 =	sadd.s32 @!p0 $0x88, s6;
	s7 =	simm.s32 @p2 $0x1082  }
0x22: {  	[simem:s7], [sflag:s8] =	dma.local @!p0 [hbm:s6], $0xF7A  }
0x23: {  	s9 =	sor.u32 $0xD0000000, s2;
	s6 =	simm.s32 $0x108;
	_ =	swait.ge @!p0 [sflag:s8], $0x0  }
0x24: {  	s3 =	sadd.s32 $0x88, s3;
	s6 =	simm.s32 @!p1 $0x1082;
	[sflag:s4] =	ssyncset.s32 $0xFFFFF086  }
0x25: {  	[simem:s6], [sflag:s4] =	dma.local [hbm:s3], $0xF7A  }
0x26: {  	[smem:$0x3F81] =	sst s1;
	(tag) =	ssettag s2;
	_ =	strace s9  }
0x27: {  	s1 =	sld [smem:$0x3F91]  }
0x28: {  	s2 =	sld [smem:$0x3F92]  }
0x29: {  	s4 =	sld [smem:$0x3F94]  }
0x2a: {  	p0 =	seq.s32 s5, $0x0;
	s5 =	sld [smem:$0x3F95]  }
0x2b: {  	s6 =	sld [smem:$0x3F96]  }
0x2c: {  	s7 =	sld [smem:$0x3F97]  }
0x2d: {  	s3 =	simm.s32 $0x108;
	s8 =	sld [smem:$0x3F98]  }
0x2e: {  	s3 =	simm.s32 @!p0 $0x1082;
	s9 =	sld [smem:$0x3F99]  }
0x2f: {  	lr =	sadd.s32 s0, s3;
	s0 =	sld [smem:$0x3F90]  }
0x30: {  	s3 =	sld [smem:$0x3F93]  }
0x31: {  	[smem:$0x3F9C] =	sst s10  }
0x32: {  	s10 =	sld [smem:$0x3F9A];
	_ =	sdelay $0x3  }
0x33: {  	p0 =	seq.s32 s10, $0x1;
	s10 =	sld [smem:$0x3F9C];
	_ =	sdelay $0x3  }
0x34: {  	[smem:$0x3F9C] =	sst s10  }
0x35: {  	s10 =	sld [smem:$0x3F9B];
	_ =	sdelay $0x3  }
0x36: {  	p1 =	seq.s32 s10, $0x1;
	s10 =	sld [smem:$0x3F9C];
	_ =	sdelay $0x3  }
0x37: {  	[smem:$0x3F9C] =	sst s10  }
0x38: {  	s10 =	sld [smem:$0x3F9D]  }
0x39: {  	_ = 	snop;
	(pc) =	sbr.ind lr, $3  }
0x3a: {  	_ = 	snop  }
0x3b: {  	_ = 	snop  }
0x3c: {  	p2 =	seq.s32 s10, $0x1;
	s10 =	sld [smem:$0x3F9C]  }
0x3d: {  	_ =	shalt  }
0x3e: {  	_ =	shalt  }
0x3f: {  	_ =	shalt  }
0x40: {  	_ =	shalt  }
0x41: {  	_ =	shalt  }
0x42: {  	_ =	shalt  }
0x43: {  	_ =	shalt  }
0x44: {  	_ =	shalt  }
0x45: {  	_ =	shalt  }
0x46: {  	_ =	shalt  }
0x47: {  	_ =	shalt  }
0x48: {  	_ =	shalt  }
0x49: {  	_ =	shalt  }
0x4a: {  	_ =	shalt  }
0x4b: {  	_ =	shalt  }
0x4c: {  	_ =	shalt  }
0x4d: {  	_ =	shalt  }
0x4e: {  	_ =	shalt  }
0x4f: {  	_ =	shalt  }
0x50: {  	_ =	shalt  }
0x51: {  	_ =	shalt  }
0x52: {  	_ =	shalt  }
0x53: {  	_ =	shalt  }
0x54: {  	_ =	shalt  }
0x55: {  	_ =	shalt  }
0x56: {  	_ =	shalt  }
0x57: {  	_ =	shalt  }
0x58: {  	_ =	shalt  }
0x59: {  	_ =	shalt  }
0x5a: {  	_ =	shalt  }
0x5b: {  	_ =	shalt  }
0x5c: {  	_ =	shalt  }
0x5d: {  	_ =	shalt  }
0x5e: {  	_ =	shalt  }
0x5f: {  	_ =	shalt  }
0x60: {  	_ =	shalt  }
0x61: {  	_ =	shalt  }
0x62: {  	_ =	shalt  }
0x63: {  	_ =	shalt  }
0x64: {  	_ =	shalt  }
0x65: {  	_ =	shalt  }
0x66: {  	_ =	shalt  }
0x67: {  	_ =	shalt  }
0x68: {  	_ =	shalt  }
0x69: {  	_ =	shalt  }
0x6a: {  	_ =	shalt  }
0x6b: {  	_ =	shalt  }
0x6c: {  	_ =	shalt  }
0x6d: {  	_ =	shalt  }
0x6e: {  	_ =	shalt  }
0x6f: {  	_ =	shalt  }
0x70: {  	_ =	shalt  }
0x71: {  	_ =	shalt  }
0x72: {  	_ =	shalt  }
0x73: {  	_ =	shalt  }
0x74: {  	_ =	shalt  }
0x75: {  	_ =	shalt  }
0x76: {  	_ =	shalt  }
0x77: {  	_ =	shalt  }
0x78: {  	_ =	shalt  }
0x79: {  	_ =	shalt  }
0x7a: {  	_ =	shalt  }
0x7b: {  	_ =	shalt  }
0x7c: {  	_ =	shalt  }
0x7d: {  	_ =	shalt  }
0x7e: {  	_ =	shalt  }
0x7f: {  	_ =	shalt  }
0x80: {  	_ =	shalt  }
0x81: {  	_ =	shalt  }
0x82: {  	_ =	shalt  }
0x83: {  	_ =	shalt  }
0x84: {  	_ =	shalt  }
0x85: {  	_ =	shalt  }
0x86: {  	_ =	shalt  }
0x87: {  	_ =	shalt  }
.Lfunc_end0:
.L_simem_size_0:
called_computation_lowered:
.L_overlay_start_0:
0x88: {  	s2 =	sld [smem:$0x3FD9]  }
0x89: {  	s3 =	sld [smem:$0x3FFE];
	_ =	sdelay $0x1  }
0x8a: {  	s1 =	srdreg.scid  }
0x8b: {  	s0 =	sand.u32 $0x1, s1  }
0x8c: {  	s17 =	sshll.u32 s0, $0xA;
	s2 =	sadd.s32 s3, s2  }
0x8d: {  	s2 =	sadd.s32 s2, s17  }
0x8e: {  	[smem:$0x3FA8] =	sst s2  }
0x8f: {  	_ = 	snop  }
0x90: {  	s2 =	sld [smem:$0x3FD0];
	(tm) =	ssettm $0x1  }
0x91: {  	s18 =	sld [smem:$0x3FFB];
	_ =	sdelay $0x3  }
0x92: {  	_ =	strace s18  }
0x93: {  	s3 =	sld [smem:$0x3FFC];
	_ =	sdelay $0x3  }
0x94: {  	_ =	strace s3  }
0x95: {  	s3 =	sld [smem:$0x3FFD];
	_ =	sdelay $0x3  }
0x96: {  	_ =	strace s3  }
0x97: {  	_ =	strace $0x8FFFFFFF  }
0x98: {  	s19 =	sld [smem:$0x3FDB];
	_ =	sdelay $0x1  }
0x99: {  	s4 =	simm.s32 $_scs_section_size  }
0x9a: {  	s5 =	simm.s32 $_size__tile_overlayer_lowered;
	s6 =	simm.s32 $_tile_overlayer_lowered  }
0x9b: {  	s22 =	simm.s32 $0x1BFF;
	s21 =	sshll.u32 s6, $0x1;
	s3 =	sadd.s32 s4, s19  }
0x9c: {  	s7 =	simm.s32 $0x0;
	s20 =	sshll.u32 s5, $0x1;
	s5 =	sadd.s32 s21, s3  }
0x9d: {  	[timem:s7], [sflag:s22] =	dma.local [hbm:s5], s20  }
0x9e: {  	_ =	swait.ge [sflag:s22], s20  }
0x9f: {  	s4 =	ssub.s32 $0x0, s20;
	[sflag:s22] =	ssyncset.done $0x0  }
0xa0: {  	[sflag:s22] =	ssyncadd.s32 s4;
	_ =	sdelay $0x1  }
0xa1: {  	s23 =	simm.s32 $0x1B8B  }
0xa2: {  	_ =	swait.ge [sflag:s23], $0x1  }
0xa3: {  	[sflag:s23] =	ssyncset.done $0x0  }
0xa4: {  	s25 =	simm.s32 $0x1B8E;
	s24 =	sld [smem:$0x3FFE];
	[sflag:s23] =	ssyncadd.s32 $0xFFFFFFFF  }
0xa5: {  	s26 =	simm.s32 $execute0_lowered;
	[smem:$0x3FD2] =	sst s25  }
0xa6: {  	s5 =	sshll.u32 s26, $0x1;
	_ =	strace $0x80000049;
	[dreg:$0x1] =	wrdreg $0xFFFFFFFF  }
0xa7: {  	s28 =	simm.s32 $_size_execute0_lowered;
	s3 =	sadd.s32 s3, s5;
	[dreg:$0x0] =	wrdreg $0x0  }
0xa8: {  	s5 =	sshll.u32 s28, $0x1;
	[dreg:$0x2] =	wrdreg s3  }
0xa9: {  	[dreg:$0x3] =	wrdreg s5  }
0xaa: {  	[dreg:$0x4] =	wrdreg $0xC0  }
0xab: {  	_ =	task [dreg:s7], $0x5FFFF  }
0xac: {  	[dreg:$0x1] =	wrdreg $0xFFFFFFFF  }
0xad: {  	[dreg:$0x0] =	wrdreg $0x60  }
0xae: {  	[dreg:$0x2] =	wrdreg s24  }
0xaf: {  	[dreg:$0x3] =	wrdreg s2  }
0xb0: {  	[dreg:$0x4] =	wrdreg $0x9  }
0xb1: {  	_ =	task.clear_ibuf [dreg:s7], $0x5FFFF;
	_ =	strace $0x90000049  }
0xb2: {  	s29 =	simm.s32 $0x9;
	_ =	strace $0x8000004B  }
0xb3: {  	_ =	swait.ge [sflag:s29], $0x1  }
0xb4: {  	[sflag:s29] =	ssyncadd.s32 $0xFFFFFFFF  }
0xb5: {  	_ =	strace $0x9000004B  }
0xb6: {  	_ =	sfence  }
0xb7: {  	s30 =	sld [smem:$0x0];
	_ =	sdelay $0x2  }
0xb8: {  	s31 =	sshll.u32 s1, $0xD;
	s1 =	sshrl.u32 s1, $0x2  }
0xb9: {  	s3 =	sand.u32 $0x4000, s31;
	s1 =	sadd.s32 s1, s30  }
0xba: {  	s0 =	sor.u32 s3, s0;
	s1 =	sshll.u32 s1, $0x11  }
0xbb: {  	s0 =	sor.u32 s1, s0  }
0xbc: {  	s0 =	sadd.s32 $0x8F2B, s0  }
0xbd: {  	[sflag:s0] =	ssyncadd.remote.s32 $0x1  }
0xbe: {  	_ =	sfence.sel $0xFFFF  }
0xbf: {  	[dreg:$0x0] =	wrdreg $0xFFFFFFFF;
	(pc) =	sbr.abs _section_cstart, $3  }
0xc0: {  	[dreg:$0x1] =	wrdreg $0xFFFFFFFF  }
0xc1: {  	_ =	task.clear_ibuf [dreg:s7], $0x2FFFF;
	_ =	strace $0x9FFFFFFF  }
0xc2: {  	(tm) =	ssettm $0x7FFFFFFF  }
0xc3: {  	_ =	shalt  }
tec
execute0_lowered:
.L_overlay_start_1:
0x0: {  	(tag) =	ssettag $0x1  }
0x1: {  	s7 =	rddreg [dreg:$0x0]  }
0x2: {  	s2 =	rddreg [dreg:$0x1]  }
0x3: {  	s0 =	rddreg [dreg:$0x2]  }
0x4: {  	s1 =	srdreg.scid;
	_ =	strace $0x8000004A;
	s4 =	simm.s32 $0x1  }
0x5: {  	s9 =	simm.s32 $0x3;
	s12 =	simm.s32 $0x0;
	s5 =	sshll.u32 s1, $0x4  }
.Ltmp0:
0x6: {  	s1 =	stileid.u32;
	s5 =	sand.u32 $0x10, s5;
	(pc) =	sbr.rel .LBB2_1-.Ltmp0, $4  }
0x7: {  	s10 =	simm.s32 $0x0;
	s3 =	sadd.s32 $0x2800, s7;
	s6 =	sor.u32 s1, s5  }
0x8: {  	[sflag:s4] =	ssyncpa.u1 $0x0;
	s5 =	simm.s32 $0x2;
	s6 =	sshll.u32 s6, $0x8  }
0x9: {  	s7 =	sadd.s32 $0x72800, s7;
	[sflag:s5] =	ssyncpa.u1 $0x0;
	s8 =	sadd.s32 $0x100, s6  }
0xa: {  	vm0 =	vmmov $0xff;
	vm1 =	vcmask $0x3F20;
	[sflag:s9] =	ssyncpa.u1 $0x0;
	s9 =	simm.s32 $0x100;
	s11 =	smov.u32 s6  }
.LBB2_9:
0xb: {  	p0 =	seq.s32 s10, $0x2  }
.Ltmp1:
0xc: {  	_ = 	snop;
	(pc) =	sbr.rel @p0 .LBB2_11-.Ltmp1, $1  }
0xd: {  	_ =	sdelay $0x3  }
.LBB2_10:
0xe: {  	s12 =	sadd.s32 $0x100, s11  }
0xf: {  	s13 =	smov.u32 s6;
	p0 =	slt.s32 s12, s8  }
0x10: {  	s13 =	smov.u32 @p0 s12  }
0x11: {  	s10 =	sadd.s32 $0x1, s10;
	s12 =	smov.u32 s11;
	s11 =	smov.u32 s13  }
.LBB2_1:
0x12: {  	p0 =	sne.s32 s10, $0x0  }
.Ltmp2:
0x13: {  	_ = 	snop;
	(pc) =	sbr.rel @!p0 .LBB2_2-.Ltmp2, $1  }
0x14: {  	_ =	sdelay $0x3  }
0x15: {  	s13 =	sand.u32 $0x1, s10  }
0x16: {  	p0 =	seq.s32 s13, $0x0  }
.Ltmp3:
0x17: {  	_ = 	snop;
	(pc) =	sbr.rel @p0 .LBB2_9-.Ltmp3, $1  }
0x18: {  	_ =	sdelay $0x3  }
0x19: {  	_ =	swait.ge [sflag:s5], $0x100  }
0x1a: {  	[sflag:s5] =	ssyncset.done $0x0  }
0x1b: {  	s13 =	simm.s32 $0x0;
	[sflag:s5] =	ssyncadd.s32 $0xFFFFFF00  }
0x1c: {  	v0 =	vld.msk [tilespmem:s13+$0x100 ss:$0x1], $0xffff;
	_ =	sdelay $0x4  }
0x1d: {  	v1 =	vshll.u32 v0, $0x5  }
0x1e: {  	vm2 =	veq.s32 v0, $0x80000000;
	v0 =	vshll.u32 v0, $0x13;
	v1 =	vand.u32 $0x7FF80, v1  }
0x1f: {  	v0 =	vand.u32 $0x180000, v0;
	v1 =	vsel vm2, $0xFFFFFF80, v1  }
0x20: {  	v0 =	vsel vm2, $0xFFF80000, v0;
	v2 =	vand.u32 $0xFFFFFC00, v1  }
0x21: {  	v1 =	vand.u32 $0x380, v1;
	v0 =	vadd.s32 v0, v2  }
0x22: {  	v0 =	vor.u32 v1, v0  }
0x23: {  	v0 =	vshrl.u32 v0, $0x3;
	_ =	sdelay $0x3  }
0x24: {  	s13 =	simm.s32 $0x8200  }
0x25: {  	[tilespmem:s13], [sflag:$0x1] =	stream.indirect_vreg.gather [hbm:s3], $0x80, v0, vm0, $0x38;
	[tilespmem:$0x10200] =	vst v63  }
0x26: {  	s14 =	simm.s32 $0x8600;
	s31 =	simm.s32 $0x10  }
0x27: {  	[tilespmem:s14], [sflag:$0x1] =	stream.indirect_vreg.gather [hbm:s3], $0x80, v0, vm1, $0x38;
	[tilespmem:$0x10200] =	vst v63  }
0x28: {  	s14 =	simm.s32 $0x80;
	v0 =	vld.msk [tilespmem:s31+$0x100 ss:$0x1], $0xffff  }
.LBB2_5:
0x29: {  	p0 =	sne.s32 s14, $0x3C0;
	_ =	sdelay $0x4  }
0x2a: {  	v1 =	vshll.u32 v0, $0x5  }
0x2b: {  	vm2 =	veq.s32 v0, $0x80000000;
	v0 =	vshll.u32 v0, $0x13;
	v1 =	vand.u32 $0x7FF80, v1  }
0x2c: {  	v0 =	vand.u32 $0x180000, v0;
	v1 =	vsel vm2, $0xFFFFFF80, v1  }
0x2d: {  	v0 =	vsel vm2, $0xFFF80000, v0;
	v2 =	vand.u32 $0xFFFFFC00, v1  }
0x2e: {  	v1 =	vand.u32 $0x380, v1;
	v0 =	vadd.s32 v0, v2  }
0x2f: {  	v0 =	vor.u32 v1, v0  }
0x30: {  	v0 =	vshrl.u32 v0, $0x3;
	_ =	sdelay $0x3  }
.Ltmp4:
0x31: {  	s13 =	sadd.s32 $0x800, s13;
	(pc) =	sbr.rel @p0 .LBB2_5-.Ltmp4, $4  }
0x32: {  	[tilespmem:s13], [sflag:$0x1] =	stream.indirect_vreg.gather [hbm:s3], $0x80, v0, vm0, $0x38;
	[tilespmem:$0x10200] =	vst v63  }
0x33: {  	s15 =	sshra.s32 s14, $0x2;
	s16 =	sadd.s32 $0x400, s13  }
0x34: {  	[tilespmem:s16], [sflag:$0x1] =	stream.indirect_vreg.gather [hbm:s3], $0x80, v0, vm1, $0x38;
	[tilespmem:$0x10200] =	vst v63  }
0x35: {  	s14 =	sadd.s32 $0x40, s14;
	v0 =	vld.msk [tilespmem:s15+$0x100 ss:$0x1], $0xffff  }
0x36: {  	_ =	sdelay $0x3  }
0x37: {  	v1 =	vshll.u32 v0, $0x5  }
0x38: {  	vm2 =	veq.s32 v0, $0x80000000;
	v63 =	vshll.u32 v0, $0x13;
	v1 =	vand.u32 $0x7FF80, v1  }
0x39: {  	v0 =	vand.u32 $0x180000, v63;
	v1 =	vsel vm2, $0xFFFFFF80, v1  }
0x3a: {  	v0 =	vsel vm2, $0xFFF80000, v0;
	v2 =	vand.u32 $0xFFFFFC00, v1  }
0x3b: {  	v1 =	vand.u32 $0x380, v1;
	v0 =	vadd.s32 v0, v2  }
0x3c: {  	v0 =	vor.u32 v1, v0  }
0x3d: {  	v0 =	vshrl.u32 v0, $0x3;
	_ =	sdelay $0x3  }
0x3e: {  	s13 =	sadd.s32 $0x800, s13  }
0x3f: {  	[tilespmem:s13], [sflag:$0x1] =	stream.indirect_vreg.gather [hbm:s3], $0x80, v0, vm0, $0x38;
	[tilespmem:$0x10200] =	vst v63  }
0x40: {  	s13 =	sadd.s32 $0x400, s13  }
0x41: {  	[tilespmem:s13], [sflag:$0x1] =	stream.indirect_vreg.gather [hbm:s3], $0x80, v0, vm1, $0x38;
	[tilespmem:$0x10200] =	vst v63  }
0x42: {  	s12 =	sshll.u32 s12, $0x4;
	s14 =	simm.s32 $0x80;
	_ =	swait.ge [sflag:s4], $0x8000  }
0x43: {  	s15 =	simm.s32 $0x8600;
	s12 =	sadd.s32 s12, s7;
	[sflag:s4] =	ssyncset.done $0x0  }
0x44: {  	s16 =	sadd.s32 $0x0, s12;
	s13 =	simm.s32 $0x8200;
	[sflag:s4] =	ssyncadd.s32 $0xFFFF8000  }
.LBB2_7:
0x45: {  	[hbm:s16] =	stream.linear.scatter [tilespmem:s13], [sflag:$0x3], $0x400, $0x38;
	[tilespmem:$0x10200] =	vst v63  }
0x46: {  	s16 =	smov.u32 s14;
	s13 =	smov.u32 s15;
	p0 =	sne.s32 s14, $0xF80  }
.Ltmp5:
0x47: {  	s14 =	sadd.s32 $0x80, s14;
	(pc) =	sbr.rel @p0 .LBB2_7-.Ltmp5, $2  }
0x48: {  	_ =	sdelay $0x2  }
0x49: {  	s15 =	sadd.s32 $0x400, s15;
	s16 =	sadd.s32 s16, s12  }
.Ltmp6:
0x4a: {  	(pc) =	sbr.rel .LBB2_9-.Ltmp6, $2  }
0x4b: {  	_ =	sdelay $0x2  }
0x4c: {  	[hbm:s16] =	stream.linear.scatter [tilespmem:s13], [sflag:$0x3], $0x400, $0x38;
	[tilespmem:$0x10200] =	vst v63  }
.LBB2_2:
.Ltmp7:
0x4d: {  	(pc) =	sbr.rel .LBB2_10-.Ltmp7, $4  }
0x4e: {  	_ = 	snop  }
0x4f: {  	s12 =	sshrl.u32 s11, $0x3  }
0x50: {  	s13 =	sand.u32 $0x7, s11;
	s12 =	sadd.s32 s2, s12  }
0x51: {  	[tilespmem:s9], [sflag:$0x2] =	stream.linear.gather [hbm4b:s12+s13], $0x100, $0x38;
	[tilespmem:$0x10200] =	vst v63  }
.LBB2_11:
0x52: {  	s2 =	simm.s32 $0x3  }
0x53: {  	_ =	swait.ge [sflag:s2], $0x8000  }
0x54: {  	[sflag:s2] =	ssyncset.done $0x0  }
0x55: {  	[sflag:s2] =	ssyncadd.s32 $0xFFFF8000  }
0x56: {  	_ =	sfence.sel $0x180000  }
0x57: {  	s3 =	simm.s32 $0x2;
	[bflag:$0x0] =	sbarrier.arrive $0xFFFF  }
0x58: {  	[sflag:s3] =	ssyncpa.u1 $0x1  }
0x59: {  	s31 =	simm.s32 $0x1;
	[sflag:s2] =	ssyncpa.u1 $0x1  }
0x5a: {  	[sflag:s31] =	ssyncpa.u1 $0x1  }
0x5b: {  	p0 =	sne.s32 s1, $0x0;
	_ =	strace $0x9000004A  }
0x5c: {  	s0 =	sadd.s32 @!p0 $0x100000, s0;
	[bflag:$0x2] =	sbarrier.arrive $0xFFFF  }
0x5d: {  	[sflag:s0] =	ssyncadd.tile.s32 @!p0 $0x1;
	_ =	shalt  }
.Lfunc_end2:
_tile_overlayer_lowered:
.L_overlay_start_2:
0x5e: {  	(tag) =	ssettag $0x2  }
0x5f: {  	s0 =	rddreg [dreg:$0x0];
	s2 =	stileid.u32  }
0x60: {  	s1 =	rddreg [dreg:$0x1];
	p0 =	sne.s32 s2, $0x0  }
0x61: {  	s3 =	rddreg [dreg:$0x2];
	[bflag:$0x3] =	sbarrier.arrive $0xFFFF;
	s2 =	simm.s32 @!p0 $0x1C01  }
0x62: {  	[timem:s3], [sflag:s2] =	dma.local @!p0 [hbm:s0], s1  }
0x63: {  	s0 =	simm.s32 @!p0 $0x1  }
0x64: {  	_ =	swait.ge @!p0 [sflag:s0], s1  }
0x65: {  	s1 =	ssub.s32 @!p0 $0x0, s1;
	[sflag:s0] =	ssyncset.done @!p0 $0x0  }
0x66: {  	[sflag:s0] =	ssyncadd.s32 @!p0 s1  }
0x67: {  	[bflag:$0x3] =	sbarrier.arrive $0xFFFF  }
0x68: {  	_ =	shalt  }

</sc_bundles>
